<compile_context>
chip_gen: v7x
topology: tpu7x:2x2x1
jax: 0.10.2.dev20260603
libtpu: 0.0.44.dev20260713+nightly
codegen_flags: <defaults>
</compile_context>

<pallas_src>
import functools

import jax
import jax.numpy as jnp
from jax import lax
from jax.experimental import pallas as pl
from jax.experimental.pallas import tpu as pltpu
from jax.experimental.pallas import tpu_sc as plsc

DIM = 128
NUM_CORES = 2
NUM_SUBCORES = 16
NUM_WORKERS = NUM_CORES * NUM_SUBCORES
CHUNK = 128
CPG = 1
NG = 6
GLAG = 3
GROUP = CPG * CHUNK


def _make_gather(total, vocab):
    assert total % (NUM_WORKERS * GROUP) == 0
    per_worker = total // NUM_WORKERS
    n_chunks = per_worker // CHUNK
    n_groups = n_chunks // CPG
    n_steady = (n_groups // NG) - 1
    assert n_steady >= 1

    mesh = plsc.VectorSubcoreMesh(
        core_axis_name="c",
        subcore_axis_name="s",
        num_cores=NUM_CORES,
        num_subcores=NUM_SUBCORES,
    )

    @functools.partial(
        pl.kernel,
        out_type=jax.ShapeDtypeStruct((total, DIM), jnp.float32),
        mesh=mesh,
        scratch_types=[
            pltpu.VMEM((n_chunks, CHUNK), jnp.int32),
            pltpu.VMEM((NG * GROUP, DIM), jnp.float32),
            [pltpu.SemaphoreType.DMA for _ in range(NG)],
            [pltpu.SemaphoreType.DMA for _ in range(NG)],
        ],
    )
    def gather(idx_hbm, table_hbm, out_hbm, idx_v, rows, gsem, osem):
        wid = lax.axis_index("s") * NUM_CORES + lax.axis_index("c")
        base = wid * per_worker

        pltpu.sync_copy(idx_hbm.at[pl.ds(wid * n_chunks, n_chunks)], idx_v)

        def gathers(p, b):
            return [
                pltpu.make_async_copy(
                    table_hbm.at[idx_v.at[p * CPG + j]],
                    rows.at[pl.ds(b * GROUP + j * CHUNK, CHUNK)],
                    gsem[b],
                )
                for j in range(CPG)
            ]

        def out_copy(p, b):
            return pltpu.make_async_copy(
                rows.at[pl.ds(b * GROUP, GROUP)],
                out_hbm.at[pl.ds(base + p * GROUP, GROUP)],
                osem[b],
            )

        def step(p, b, first_round):
            if not first_round:
                out_copy(p - NG, b).wait()
            for c in gathers(p, b):
                c.start()
            if not (first_round and b < GLAG):
                u, bu = p - GLAG, (b - GLAG) % NG
                for c in gathers(u, bu):
                    c.wait()
                out_copy(u, bu).start()

        for b in range(NG):
            step(b, b, first_round=True)

        def outer(g):
            for b in range(NG):
                step(g * NG + b, b, first_round=False)

        pl.loop(1, n_steady + 1)(outer)

        for p in range((n_steady + 1) * NG, n_groups):
            step(p, p % NG, first_round=False)
        for u in range(n_groups - GLAG, n_groups):
            bu = u % NG
            for c in gathers(u, bu):
                c.wait()
            out_copy(u, bu).start()
        for k in range(NG):
            p = n_groups - NG + k
            out_copy(p, p % NG).wait()

    return gather


def kernel(inputs, embeddings):
    batch, hist = inputs.shape
    idx = inputs.reshape(-1).astype(jnp.int32)
    total = idx.shape[0]
    idx2d = idx.reshape(total // CHUNK, CHUNK)
    out = _make_gather(total, embeddings.shape[0])(idx2d, embeddings)
    return out.reshape(batch, hist, DIM)

# --- scband reference (transcript-rebuilt; emitter-appended) ---
"""Pipeline reference for scband-tied-embedding-2791728742626 (READ-ONLY COPY).

The authoritative reference and input builder live on the scoring server;
editing this copy changes nothing except your own understanding.
"""

import jax, jax.numpy as jnp
import numpy as np

VOCAB = 100000
DIM = 128
BATCH = 4096
HIST = 200

def setup_inputs(seed: int = 0) -> dict:
    key = jax.random.key(seed)
    k_idx, k_tab = jax.random.split(key)
    inputs = jax.random.randint(k_idx, (BATCH, HIST), 0, VOCAB, dtype=jnp.int64 if jax.config.jax_enable_x64 else jnp.int32)
    embeddings = jax.random.normal(k_tab, (VOCAB, DIM), dtype=jnp.float32) * 0.02
    return {"inputs": inputs, "embeddings": embeddings}

def reference(inputs, embeddings):
    # Tied_Embedding.call: simple embedding lookup
    return jnp.take(embeddings, inputs, axis=0)

if __name__ == "__main__":
    import jax
    _d = setup_inputs()
    print(jax.jit(kernel)(*tuple(_d.values())))

</pallas_src>

<mosaic_0001>
#map = affine_map<(d0, d1) -> (0, 0)>
module attributes {stable_mosaic.version = 14 : i64} {
  func.func @gather(%arg0: i32, %arg1: i32, %arg2: memref<6400x128xi32, #tpu.memory_space<hbm>>, %arg3: memref<100000x128xf32, #tpu.memory_space<hbm>>, %arg4: memref<819200x128xf32, #tpu.memory_space<hbm>>, %arg5: memref<200x128xi32, #tpu.memory_space<vmem>>, %arg6: memref<768x128xf32, #tpu.memory_space<vmem>>, %arg7: memref<!tpu.dma_semaphore, #tpu.memory_space<semaphore_mem>>, %arg8: memref<!tpu.dma_semaphore, #tpu.memory_space<semaphore_mem>>, %arg9: memref<!tpu.dma_semaphore, #tpu.memory_space<semaphore_mem>>, %arg10: memref<!tpu.dma_semaphore, #tpu.memory_space<semaphore_mem>>, %arg11: memref<!tpu.dma_semaphore, #tpu.memory_space<semaphore_mem>>, %arg12: memref<!tpu.dma_semaphore, #tpu.memory_space<semaphore_mem>>, %arg13: memref<!tpu.dma_semaphore, #tpu.memory_space<semaphore_mem>>, %arg14: memref<!tpu.dma_semaphore, #tpu.memory_space<semaphore_mem>>, %arg15: memref<!tpu.dma_semaphore, #tpu.memory_space<semaphore_mem>>, %arg16: memref<!tpu.dma_semaphore, #tpu.memory_space<semaphore_mem>>, %arg17: memref<!tpu.dma_semaphore, #tpu.memory_space<semaphore_mem>>, %arg18: memref<!tpu.dma_semaphore, #tpu.memory_space<semaphore_mem>>) attributes {dimension_semantics = [#tpu.dimension_semantics<core_parallel>, #tpu.dimension_semantics<subcore_parallel>], iteration_bounds = array<i64: 2, 16>, scalar_prefetch = 0 : i64, scratch_operands = 14 : i64, tpu.core_type = #tpu.core_type<sc_vector_subcore>, window_params = [{transform_indices = #map}, {transform_indices = #map}, {transform_indices = #map}]} {
    %mul3A = arith.constant 2 : i32
    %mul3A_0 = arith.muli %arg1, %mul3A : i32
    %add3A = arith.addi %mul3A_0, %arg0 : i32
    %mul3A_1 = arith.constant 25600 : i32
    %mul3A_2 = arith.muli %add3A, %mul3A_1 : i32
    %mul3A_3 = arith.constant 200 : i32
    %mul3A_4 = arith.muli %add3A, %mul3A_3 : i32
    "tpu.region"() ({
      %run_scoped3A = tpu.sem_alloc : memref<!tpu.dma_semaphore, #tpu.memory_space<semaphore_mem>>
      %dma_start3A_359 = arith.constant 0 : i32
      %dma_start3A_360 = tpu.memref_slice %arg2[%mul3A_4, %dma_start3A_359] : memref<6400x128xi32, #tpu.memory_space<hbm>> -> memref<200x128xi32, #tpu.memory_space<hbm>>
      %dma_start3A_361 = arith.constant 0 : i32
      %dma_start3A_362 = tpu.memref_slice %arg2[%mul3A_4, %dma_start3A_361] : memref<6400x128xi32, #tpu.memory_space<hbm>> -> memref<200x128xi32, #tpu.memory_space<hbm>>
      tpu.enqueue_dma source(%dma_start3A_362 : memref<200x128xi32, #tpu.memory_space<hbm>>) target(%arg5 : memref<200x128xi32, #tpu.memory_space<vmem>>) target_semaphore(%run_scoped3A : memref<!tpu.dma_semaphore, #tpu.memory_space<semaphore_mem>>)
      %dma_wait3A_363 = arith.constant 0 : i32
      %dma_wait3A_364 = tpu.memref_slice %arg2[%mul3A_4, %dma_wait3A_363] : memref<6400x128xi32, #tpu.memory_space<hbm>> -> memref<200x128xi32, #tpu.memory_space<hbm>>
      %dma_wait3A_365 = arith.constant 0 : i32
      %dma_wait3A_366 = tpu.memref_slice %arg2[%mul3A_4, %dma_wait3A_365] : memref<6400x128xi32, #tpu.memory_space<hbm>> -> memref<200x128xi32, #tpu.memory_space<hbm>>
      tpu.wait_dma2 semaphore(%run_scoped3A : memref<!tpu.dma_semaphore, #tpu.memory_space<semaphore_mem>>) src(%dma_wait3A_366 : memref<200x128xi32, #tpu.memory_space<hbm>>) dst(%arg5 : memref<200x128xi32, #tpu.memory_space<vmem>>)
      tpu.yield
    }) : () -> ()
    %dma_start3A = arith.constant 0 : i32
    %dma_start3A_5 = arith.constant 0 : i32
    %dma_start3A_6 = arith.constant 0 : i32
    %dma_start3A_7 = tpu.memref_slice %arg6[%dma_start3A_5, %dma_start3A_6] : memref<768x128xf32, #tpu.memory_space<vmem>> -> memref<128x128xf32, #tpu.memory_space<vmem>>
    %dma_start3A_8 = arith.constant 0 : i32
    %dma_start3A_9 = tpu.memref_slice %arg5[%dma_start3A, %dma_start3A_8] : memref<200x128xi32, #tpu.memory_space<vmem>> -> memref<1x128xi32, #tpu.memory_space<vmem>>
    %dma_start3A_10 = tpu.memref_squeeze %dma_start3A_9 : memref<1x128xi32, #tpu.memory_space<vmem>> -> memref<128xi32, #tpu.memory_space<vmem>>
    %dma_start3A_11 = arith.constant 0 : i32
    %dma_start3A_12 = arith.constant 0 : i32
    %dma_start3A_13 = tpu.memref_slice %arg3[%dma_start3A_11, %dma_start3A_12] : memref<100000x128xf32, #tpu.memory_space<hbm>> -> memref<100000x128xf32, #tpu.memory_space<hbm>>
    tpu.enqueue_indirect_dma source(%dma_start3A_13 : memref<100000x128xf32, #tpu.memory_space<hbm>>) target(%dma_start3A_7 : memref<128x128xf32, #tpu.memory_space<vmem>>) offsets(%dma_start3A_10 : memref<128xi32, #tpu.memory_space<vmem>>) semaphore(%arg7 : memref<!tpu.dma_semaphore, #tpu.memory_space<semaphore_mem>>)
    %dma_start3A_14 = arith.constant 1 : i32
    %dma_start3A_15 = arith.constant 128 : i32
    %dma_start3A_16 = arith.constant 0 : i32
    %dma_start3A_17 = tpu.memref_slice %arg6[%dma_start3A_15, %dma_start3A_16] : memref<768x128xf32, #tpu.memory_space<vmem>> -> memref<128x128xf32, #tpu.memory_space<vmem>>
    %dma_start3A_18 = arith.constant 0 : i32
    %dma_start3A_19 = tpu.memref_slice %arg5[%dma_start3A_14, %dma_start3A_18] : memref<200x128xi32, #tpu.memory_space<vmem>> -> memref<1x128xi32, #tpu.memory_space<vmem>>
    %dma_start3A_20 = tpu.memref_squeeze %dma_start3A_19 : memref<1x128xi32, #tpu.memory_space<vmem>> -> memref<128xi32, #tpu.memory_space<vmem>>
    %dma_start3A_21 = arith.constant 0 : i32
    %dma_start3A_22 = arith.constant 0 : i32
    %dma_start3A_23 = tpu.memref_slice %arg3[%dma_start3A_21, %dma_start3A_22] : memref<100000x128xf32, #tpu.memory_space<hbm>> -> memref<100000x128xf32, #tpu.memory_space<hbm>>
    tpu.enqueue_indirect_dma source(%dma_start3A_23 : memref<100000x128xf32, #tpu.memory_space<hbm>>) target(%dma_start3A_17 : memref<128x128xf32, #tpu.memory_space<vmem>>) offsets(%dma_start3A_20 : memref<128xi32, #tpu.memory_space<vmem>>) semaphore(%arg8 : memref<!tpu.dma_semaphore, #tpu.memory_space<semaphore_mem>>)
    %dma_start3A_24 = arith.constant 2 : i32
    %dma_start3A_25 = arith.constant 256 : i32
    %dma_start3A_26 = arith.constant 0 : i32
    %dma_start3A_27 = tpu.memref_slice %arg6[%dma_start3A_25, %dma_start3A_26] : memref<768x128xf32, #tpu.memory_space<vmem>> -> memref<128x128xf32, #tpu.memory_space<vmem>>
    %dma_start3A_28 = arith.constant 0 : i32
    %dma_start3A_29 = tpu.memref_slice %arg5[%dma_start3A_24, %dma_start3A_28] : memref<200x128xi32, #tpu.memory_space<vmem>> -> memref<1x128xi32, #tpu.memory_space<vmem>>
    %dma_start3A_30 = tpu.memref_squeeze %dma_start3A_29 : memref<1x128xi32, #tpu.memory_space<vmem>> -> memref<128xi32, #tpu.memory_space<vmem>>
    %dma_start3A_31 = arith.constant 0 : i32
    %dma_start3A_32 = arith.constant 0 : i32
    %dma_start3A_33 = tpu.memref_slice %arg3[%dma_start3A_31, %dma_start3A_32] : memref<100000x128xf32, #tpu.memory_space<hbm>> -> memref<100000x128xf32, #tpu.memory_space<hbm>>
    tpu.enqueue_indirect_dma source(%dma_start3A_33 : memref<100000x128xf32, #tpu.memory_space<hbm>>) target(%dma_start3A_27 : memref<128x128xf32, #tpu.memory_space<vmem>>) offsets(%dma_start3A_30 : memref<128xi32, #tpu.memory_space<vmem>>) semaphore(%arg9 : memref<!tpu.dma_semaphore, #tpu.memory_space<semaphore_mem>>)
    %dma_start3A_34 = arith.constant 3 : i32
    %dma_start3A_35 = arith.constant 384 : i32
    %dma_start3A_36 = arith.constant 0 : i32
    %dma_start3A_37 = tpu.memref_slice %arg6[%dma_start3A_35, %dma_start3A_36] : memref<768x128xf32, #tpu.memory_space<vmem>> -> memref<128x128xf32, #tpu.memory_space<vmem>>
    %dma_start3A_38 = arith.constant 0 : i32
    %dma_start3A_39 = tpu.memref_slice %arg5[%dma_start3A_34, %dma_start3A_38] : memref<200x128xi32, #tpu.memory_space<vmem>> -> memref<1x128xi32, #tpu.memory_space<vmem>>
    %dma_start3A_40 = tpu.memref_squeeze %dma_start3A_39 : memref<1x128xi32, #tpu.memory_space<vmem>> -> memref<128xi32, #tpu.memory_space<vmem>>
    %dma_start3A_41 = arith.constant 0 : i32
    %dma_start3A_42 = arith.constant 0 : i32
    %dma_start3A_43 = tpu.memref_slice %arg3[%dma_start3A_41, %dma_start3A_42] : memref<100000x128xf32, #tpu.memory_space<hbm>> -> memref<100000x128xf32, #tpu.memory_space<hbm>>
    tpu.enqueue_indirect_dma source(%dma_start3A_43 : memref<100000x128xf32, #tpu.memory_space<hbm>>) target(%dma_start3A_37 : memref<128x128xf32, #tpu.memory_space<vmem>>) offsets(%dma_start3A_40 : memref<128xi32, #tpu.memory_space<vmem>>) semaphore(%arg10 : memref<!tpu.dma_semaphore, #tpu.memory_space<semaphore_mem>>)
    %dma_wait3A = arith.constant 0 : i32
    %dma_wait3A_44 = arith.constant 0 : i32
    %dma_wait3A_45 = arith.constant 0 : i32
    %dma_wait3A_46 = tpu.memref_slice %arg6[%dma_wait3A_44, %dma_wait3A_45] : memref<768x128xf32, #tpu.memory_space<vmem>> -> memref<128x128xf32, #tpu.memory_space<vmem>>
    %dma_wait3A_47 = arith.constant 0 : i32
    %dma_wait3A_48 = tpu.memref_slice %arg5[%dma_wait3A, %dma_wait3A_47] : memref<200x128xi32, #tpu.memory_space<vmem>> -> memref<1x128xi32, #tpu.memory_space<vmem>>
    %dma_wait3A_49 = tpu.memref_squeeze %dma_wait3A_48 : memref<1x128xi32, #tpu.memory_space<vmem>> -> memref<128xi32, #tpu.memory_space<vmem>>
    %dma_wait3A_50 = arith.constant 0 : i32
    %dma_wait3A_51 = arith.constant 0 : i32
    %dma_wait3A_52 = tpu.memref_slice %arg3[%dma_wait3A_50, %dma_wait3A_51] : memref<100000x128xf32, #tpu.memory_space<hbm>> -> memref<100000x128xf32, #tpu.memory_space<hbm>>
    tpu.wait_indirect_dma semaphore(%arg7 : memref<!tpu.dma_semaphore, #tpu.memory_space<semaphore_mem>>) src(%dma_wait3A_52 : memref<100000x128xf32, #tpu.memory_space<hbm>>) dst(%dma_wait3A_46 : memref<128x128xf32, #tpu.memory_space<vmem>>)
    %add3A_53 = arith.constant 0 : i32
    %add3A_54 = arith.addi %mul3A_2, %add3A_53 : i32
    %dma_start3A_55 = arith.constant 0 : i32
    %dma_start3A_56 = arith.constant 0 : i32
    %dma_start3A_57 = tpu.memref_slice %arg6[%dma_start3A_55, %dma_start3A_56] : memref<768x128xf32, #tpu.memory_space<vmem>> -> memref<128x128xf32, #tpu.memory_space<vmem>>
    %dma_start3A_58 = arith.constant 0 : i32
    %dma_start3A_59 = tpu.memref_slice %arg4[%add3A_54, %dma_start3A_58] : memref<819200x128xf32, #tpu.memory_space<hbm>> -> memref<128x128xf32, #tpu.memory_space<hbm>>
    %dma_start3A_60 = arith.constant 0 : i32
    %dma_start3A_61 = tpu.memref_slice %arg4[%add3A_54, %dma_start3A_60] : memref<819200x128xf32, #tpu.memory_space<hbm>> -> memref<128x128xf32, #tpu.memory_space<hbm>>
    %dma_start3A_62 = arith.constant 0 : i32
    %dma_start3A_63 = arith.constant 0 : i32
    %dma_start3A_64 = tpu.memref_slice %arg6[%dma_start3A_62, %dma_start3A_63] : memref<768x128xf32, #tpu.memory_space<vmem>> -> memref<128x128xf32, #tpu.memory_space<vmem>>
    tpu.enqueue_dma source(%dma_start3A_64 : memref<128x128xf32, #tpu.memory_space<vmem>>) target(%dma_start3A_61 : memref<128x128xf32, #tpu.memory_space<hbm>>) target_semaphore(%arg13 : memref<!tpu.dma_semaphore, #tpu.memory_space<semaphore_mem>>)
    %dma_start3A_65 = arith.constant 4 : i32
    %dma_start3A_66 = arith.constant 512 : i32
    %dma_start3A_67 = arith.constant 0 : i32
    %dma_start3A_68 = tpu.memref_slice %arg6[%dma_start3A_66, %dma_start3A_67] : memref<768x128xf32, #tpu.memory_space<vmem>> -> memref<128x128xf32, #tpu.memory_space<vmem>>
    %dma_start3A_69 = arith.constant 0 : i32
    %dma_start3A_70 = tpu.memref_slice %arg5[%dma_start3A_65, %dma_start3A_69] : memref<200x128xi32, #tpu.memory_space<vmem>> -> memref<1x128xi32, #tpu.memory_space<vmem>>
    %dma_start3A_71 = tpu.memref_squeeze %dma_start3A_70 : memref<1x128xi32, #tpu.memory_space<vmem>> -> memref<128xi32, #tpu.memory_space<vmem>>
    %dma_start3A_72 = arith.constant 0 : i32
    %dma_start3A_73 = arith.constant 0 : i32
    %dma_start3A_74 = tpu.memref_slice %arg3[%dma_start3A_72, %dma_start3A_73] : memref<100000x128xf32, #tpu.memory_space<hbm>> -> memref<100000x128xf32, #tpu.memory_space<hbm>>
    tpu.enqueue_indirect_dma source(%dma_start3A_74 : memref<100000x128xf32, #tpu.memory_space<hbm>>) target(%dma_start3A_68 : memref<128x128xf32, #tpu.memory_space<vmem>>) offsets(%dma_start3A_71 : memref<128xi32, #tpu.memory_space<vmem>>) semaphore(%arg11 : memref<!tpu.dma_semaphore, #tpu.memory_space<semaphore_mem>>)
    %dma_wait3A_75 = arith.constant 1 : i32
    %dma_wait3A_76 = arith.constant 128 : i32
    %dma_wait3A_77 = arith.constant 0 : i32
    %dma_wait3A_78 = tpu.memref_slice %arg6[%dma_wait3A_76, %dma_wait3A_77] : memref<768x128xf32, #tpu.memory_space<vmem>> -> memref<128x128xf32, #tpu.memory_space<vmem>>
    %dma_wait3A_79 = arith.constant 0 : i32
    %dma_wait3A_80 = tpu.memref_slice %arg5[%dma_wait3A_75, %dma_wait3A_79] : memref<200x128xi32, #tpu.memory_space<vmem>> -> memref<1x128xi32, #tpu.memory_space<vmem>>
    %dma_wait3A_81 = tpu.memref_squeeze %dma_wait3A_80 : memref<1x128xi32, #tpu.memory_space<vmem>> -> memref<128xi32, #tpu.memory_space<vmem>>
    %dma_wait3A_82 = arith.constant 0 : i32
    %dma_wait3A_83 = arith.constant 0 : i32
    %dma_wait3A_84 = tpu.memref_slice %arg3[%dma_wait3A_82, %dma_wait3A_83] : memref<100000x128xf32, #tpu.memory_space<hbm>> -> memref<100000x128xf32, #tpu.memory_space<hbm>>
    tpu.wait_indirect_dma semaphore(%arg8 : memref<!tpu.dma_semaphore, #tpu.memory_space<semaphore_mem>>) src(%dma_wait3A_84 : memref<100000x128xf32, #tpu.memory_space<hbm>>) dst(%dma_wait3A_78 : memref<128x128xf32, #tpu.memory_space<vmem>>)
    %add3A_85 = arith.constant 128 : i32
    %add3A_86 = arith.addi %mul3A_2, %add3A_85 : i32
    %dma_start3A_87 = arith.constant 128 : i32
    %dma_start3A_88 = arith.constant 0 : i32
    %dma_start3A_89 = tpu.memref_slice %arg6[%dma_start3A_87, %dma_start3A_88] : memref<768x128xf32, #tpu.memory_space<vmem>> -> memref<128x128xf32, #tpu.memory_space<vmem>>
    %dma_start3A_90 = arith.constant 0 : i32
    %dma_start3A_91 = tpu.memref_slice %arg4[%add3A_86, %dma_start3A_90] : memref<819200x128xf32, #tpu.memory_space<hbm>> -> memref<128x128xf32, #tpu.memory_space<hbm>>
    %dma_start3A_92 = arith.constant 0 : i32
    %dma_start3A_93 = tpu.memref_slice %arg4[%add3A_86, %dma_start3A_92] : memref<819200x128xf32, #tpu.memory_space<hbm>> -> memref<128x128xf32, #tpu.memory_space<hbm>>
    %dma_start3A_94 = arith.constant 128 : i32
    %dma_start3A_95 = arith.constant 0 : i32
    %dma_start3A_96 = tpu.memref_slice %arg6[%dma_start3A_94, %dma_start3A_95] : memref<768x128xf32, #tpu.memory_space<vmem>> -> memref<128x128xf32, #tpu.memory_space<vmem>>
    tpu.enqueue_dma source(%dma_start3A_96 : memref<128x128xf32, #tpu.memory_space<vmem>>) target(%dma_start3A_93 : memref<128x128xf32, #tpu.memory_space<hbm>>) target_semaphore(%arg14 : memref<!tpu.dma_semaphore, #tpu.memory_space<semaphore_mem>>)
    %dma_start3A_97 = arith.constant 5 : i32
    %dma_start3A_98 = arith.constant 640 : i32
    %dma_start3A_99 = arith.constant 0 : i32
    %dma_start3A_100 = tpu.memref_slice %arg6[%dma_start3A_98, %dma_start3A_99] : memref<768x128xf32, #tpu.memory_space<vmem>> -> memref<128x128xf32, #tpu.memory_space<vmem>>
    %dma_start3A_101 = arith.constant 0 : i32
    %dma_start3A_102 = tpu.memref_slice %arg5[%dma_start3A_97, %dma_start3A_101] : memref<200x128xi32, #tpu.memory_space<vmem>> -> memref<1x128xi32, #tpu.memory_space<vmem>>
    %dma_start3A_103 = tpu.memref_squeeze %dma_start3A_102 : memref<1x128xi32, #tpu.memory_space<vmem>> -> memref<128xi32, #tpu.memory_space<vmem>>
    %dma_start3A_104 = arith.constant 0 : i32
    %dma_start3A_105 = arith.constant 0 : i32
    %dma_start3A_106 = tpu.memref_slice %arg3[%dma_start3A_104, %dma_start3A_105] : memref<100000x128xf32, #tpu.memory_space<hbm>> -> memref<100000x128xf32, #tpu.memory_space<hbm>>
    tpu.enqueue_indirect_dma source(%dma_start3A_106 : memref<100000x128xf32, #tpu.memory_space<hbm>>) target(%dma_start3A_100 : memref<128x128xf32, #tpu.memory_space<vmem>>) offsets(%dma_start3A_103 : memref<128xi32, #tpu.memory_space<vmem>>) semaphore(%arg12 : memref<!tpu.dma_semaphore, #tpu.memory_space<semaphore_mem>>)
    %dma_wait3A_107 = arith.constant 2 : i32
    %dma_wait3A_108 = arith.constant 256 : i32
    %dma_wait3A_109 = arith.constant 0 : i32
    %dma_wait3A_110 = tpu.memref_slice %arg6[%dma_wait3A_108, %dma_wait3A_109] : memref<768x128xf32, #tpu.memory_space<vmem>> -> memref<128x128xf32, #tpu.memory_space<vmem>>
    %dma_wait3A_111 = arith.constant 0 : i32
    %dma_wait3A_112 = tpu.memref_slice %arg5[%dma_wait3A_107, %dma_wait3A_111] : memref<200x128xi32, #tpu.memory_space<vmem>> -> memref<1x128xi32, #tpu.memory_space<vmem>>
    %dma_wait3A_113 = tpu.memref_squeeze %dma_wait3A_112 : memref<1x128xi32, #tpu.memory_space<vmem>> -> memref<128xi32, #tpu.memory_space<vmem>>
    %dma_wait3A_114 = arith.constant 0 : i32
    %dma_wait3A_115 = arith.constant 0 : i32
    %dma_wait3A_116 = tpu.memref_slice %arg3[%dma_wait3A_114, %dma_wait3A_115] : memref<100000x128xf32, #tpu.memory_space<hbm>> -> memref<100000x128xf32, #tpu.memory_space<hbm>>
    tpu.wait_indirect_dma semaphore(%arg9 : memref<!tpu.dma_semaphore, #tpu.memory_space<semaphore_mem>>) src(%dma_wait3A_116 : memref<100000x128xf32, #tpu.memory_space<hbm>>) dst(%dma_wait3A_110 : memref<128x128xf32, #tpu.memory_space<vmem>>)
    %add3A_117 = arith.constant 256 : i32
    %add3A_118 = arith.addi %mul3A_2, %add3A_117 : i32
    %dma_start3A_119 = arith.constant 256 : i32
    %dma_start3A_120 = arith.constant 0 : i32
    %dma_start3A_121 = tpu.memref_slice %arg6[%dma_start3A_119, %dma_start3A_120] : memref<768x128xf32, #tpu.memory_space<vmem>> -> memref<128x128xf32, #tpu.memory_space<vmem>>
    %dma_start3A_122 = arith.constant 0 : i32
    %dma_start3A_123 = tpu.memref_slice %arg4[%add3A_118, %dma_start3A_122] : memref<819200x128xf32, #tpu.memory_space<hbm>> -> memref<128x128xf32, #tpu.memory_space<hbm>>
    %dma_start3A_124 = arith.constant 0 : i32
    %dma_start3A_125 = tpu.memref_slice %arg4[%add3A_118, %dma_start3A_124] : memref<819200x128xf32, #tpu.memory_space<hbm>> -> memref<128x128xf32, #tpu.memory_space<hbm>>
    %dma_start3A_126 = arith.constant 256 : i32
    %dma_start3A_127 = arith.constant 0 : i32
    %dma_start3A_128 = tpu.memref_slice %arg6[%dma_start3A_126, %dma_start3A_127] : memref<768x128xf32, #tpu.memory_space<vmem>> -> memref<128x128xf32, #tpu.memory_space<vmem>>
    tpu.enqueue_dma source(%dma_start3A_128 : memref<128x128xf32, #tpu.memory_space<vmem>>) target(%dma_start3A_125 : memref<128x128xf32, #tpu.memory_space<hbm>>) target_semaphore(%arg15 : memref<!tpu.dma_semaphore, #tpu.memory_space<semaphore_mem>>)
    %scan3A = arith.constant 0 : i32
    %scan3A_129 = arith.constant 32 : i32
    %scan3A_130 = arith.addi %scan3A, %scan3A_129 : i32
    %scan3A_131 = arith.constant 1 : i32
    scf.for %scan3A_359 = %scan3A to %scan3A_130 step %scan3A_131  : i32 {
      %mul3A_360 = arith.constant 1 : i32
      %mul3A_361 = arith.muli %scan3A_359, %mul3A_360 : i32
      %add3A_362 = arith.constant 1 : i32
      %add3A_363 = arith.addi %add3A_362, %mul3A_361 : i32
      %mul3A_364 = arith.constant 6 : i32
      %mul3A_365 = arith.muli %add3A_363, %mul3A_364 : i32
      %add3A_366 = arith.constant 0 : i32
      %add3A_367 = arith.addi %mul3A_365, %add3A_366 : i32
      %sub3A = arith.constant 6 : i32
      %sub3A_368 = arith.subi %add3A_367, %sub3A : i32
      %mul3A_369 = arith.constant 128 : i32
      %mul3A_370 = arith.muli %sub3A_368, %mul3A_369 : i32
      %add3A_371 = arith.addi %mul3A_2, %mul3A_370 : i32
      %dma_wait3A_372 = arith.constant 0 : i32
      %dma_wait3A_373 = arith.constant 0 : i32
      %dma_wait3A_374 = tpu.memref_slice %arg6[%dma_wait3A_372, %dma_wait3A_373] : memref<768x128xf32, #tpu.memory_space<vmem>> -> memref<128x128xf32, #tpu.memory_space<vmem>>
      %dma_wait3A_375 = arith.constant 0 : i32
      %dma_wait3A_376 = tpu.memref_slice %arg4[%add3A_371, %dma_wait3A_375] : memref<819200x128xf32, #tpu.memory_space<hbm>> -> memref<128x128xf32, #tpu.memory_space<hbm>>
      %dma_wait3A_377 = arith.constant 0 : i32
      %dma_wait3A_378 = tpu.memref_slice %arg4[%add3A_371, %dma_wait3A_377] : memref<819200x128xf32, #tpu.memory_space<hbm>> -> memref<128x128xf32, #tpu.memory_space<hbm>>
      %dma_wait3A_379 = arith.constant 0 : i32
      %dma_wait3A_380 = arith.constant 0 : i32
      %dma_wait3A_381 = tpu.memref_slice %arg6[%dma_wait3A_379, %dma_wait3A_380] : memref<768x128xf32, #tpu.memory_space<vmem>> -> memref<128x128xf32, #tpu.memory_space<vmem>>
      tpu.wait_dma2 semaphore(%arg13 : memref<!tpu.dma_semaphore, #tpu.memory_space<semaphore_mem>>) src(%dma_wait3A_381 : memref<128x128xf32, #tpu.memory_space<vmem>>) dst(%dma_wait3A_378 : memref<128x128xf32, #tpu.memory_space<hbm>>)
      %mul3A_382 = arith.constant 1 : i32
      %mul3A_383 = arith.muli %add3A_367, %mul3A_382 : i32
      %add3A_384 = arith.constant 0 : i32
      %add3A_385 = arith.addi %mul3A_383, %add3A_384 : i32
      %dma_start3A_386 = arith.constant 0 : i32
      %dma_start3A_387 = arith.constant 0 : i32
      %dma_start3A_388 = tpu.memref_slice %arg6[%dma_start3A_386, %dma_start3A_387] : memref<768x128xf32, #tpu.memory_space<vmem>> -> memref<128x128xf32, #tpu.memory_space<vmem>>
      %dma_start3A_389 = arith.constant 0 : i32
      %dma_start3A_390 = tpu.memref_slice %arg5[%add3A_385, %dma_start3A_389] : memref<200x128xi32, #tpu.memory_space<vmem>> -> memref<1x128xi32, #tpu.memory_space<vmem>>
      %dma_start3A_391 = tpu.memref_squeeze %dma_start3A_390 : memref<1x128xi32, #tpu.memory_space<vmem>> -> memref<128xi32, #tpu.memory_space<vmem>>
      %dma_start3A_392 = arith.constant 0 : i32
      %dma_start3A_393 = arith.constant 0 : i32
      %dma_start3A_394 = tpu.memref_slice %arg3[%dma_start3A_392, %dma_start3A_393] : memref<100000x128xf32, #tpu.memory_space<hbm>> -> memref<100000x128xf32, #tpu.memory_space<hbm>>
      tpu.enqueue_indirect_dma source(%dma_start3A_394 : memref<100000x128xf32, #tpu.memory_space<hbm>>) target(%dma_start3A_388 : memref<128x128xf32, #tpu.memory_space<vmem>>) offsets(%dma_start3A_391 : memref<128xi32, #tpu.memory_space<vmem>>) semaphore(%arg7 : memref<!tpu.dma_semaphore, #tpu.memory_space<semaphore_mem>>)
      %sub3A_395 = arith.constant 3 : i32
      %sub3A_396 = arith.subi %add3A_367, %sub3A_395 : i32
      %mul3A_397 = arith.constant 1 : i32
      %mul3A_398 = arith.muli %sub3A_396, %mul3A_397 : i32
      %add3A_399 = arith.constant 0 : i32
      %add3A_400 = arith.addi %mul3A_398, %add3A_399 : i32
      %dma_wait3A_401 = arith.constant 384 : i32
      %dma_wait3A_402 = arith.constant 0 : i32
      %dma_wait3A_403 = tpu.memref_slice %arg6[%dma_wait3A_401, %dma_wait3A_402] : memref<768x128xf32, #tpu.memory_space<vmem>> -> memref<128x128xf32, #tpu.memory_space<vmem>>
      %dma_wait3A_404 = arith.constant 0 : i32
      %dma_wait3A_405 = tpu.memref_slice %arg5[%add3A_400, %dma_wait3A_404] : memref<200x128xi32, #tpu.memory_space<vmem>> -> memref<1x128xi32, #tpu.memory_space<vmem>>
      %dma_wait3A_406 = tpu.memref_squeeze %dma_wait3A_405 : memref<1x128xi32, #tpu.memory_space<vmem>> -> memref<128xi32, #tpu.memory_space<vmem>>
      %dma_wait3A_407 = arith.constant 0 : i32
      %dma_wait3A_408 = arith.constant 0 : i32
      %dma_wait3A_409 = tpu.memref_slice %arg3[%dma_wait3A_407, %dma_wait3A_408] : memref<100000x128xf32, #tpu.memory_space<hbm>> -> memref<100000x128xf32, #tpu.memory_space<hbm>>
      tpu.wait_indirect_dma semaphore(%arg10 : memref<!tpu.dma_semaphore, #tpu.memory_space<semaphore_mem>>) src(%dma_wait3A_409 : memref<100000x128xf32, #tpu.memory_space<hbm>>) dst(%dma_wait3A_403 : memref<128x128xf32, #tpu.memory_space<vmem>>)
      %mul3A_410 = arith.constant 128 : i32
      %mul3A_411 = arith.muli %sub3A_396, %mul3A_410 : i32
      %add3A_412 = arith.addi %mul3A_2, %mul3A_411 : i32
      %dma_start3A_413 = arith.constant 384 : i32
      %dma_start3A_414 = arith.constant 0 : i32
      %dma_start3A_415 = tpu.memref_slice %arg6[%dma_start3A_413, %dma_start3A_414] : memref<768x128xf32, #tpu.memory_space<vmem>> -> memref<128x128xf32, #tpu.memory_space<vmem>>
      %dma_start3A_416 = arith.constant 0 : i32
      %dma_start3A_417 = tpu.memref_slice %arg4[%add3A_412, %dma_start3A_416] : memref<819200x128xf32, #tpu.memory_space<hbm>> -> memref<128x128xf32, #tpu.memory_space<hbm>>
      %dma_start3A_418 = arith.constant 0 : i32
      %dma_start3A_419 = tpu.memref_slice %arg4[%add3A_412, %dma_start3A_418] : memref<819200x128xf32, #tpu.memory_space<hbm>> -> memref<128x128xf32, #tpu.memory_space<hbm>>
      %dma_start3A_420 = arith.constant 384 : i32
      %dma_start3A_421 = arith.constant 0 : i32
      %dma_start3A_422 = tpu.memref_slice %arg6[%dma_start3A_420, %dma_start3A_421] : memref<768x128xf32, #tpu.memory_space<vmem>> -> memref<128x128xf32, #tpu.memory_space<vmem>>
      tpu.enqueue_dma source(%dma_start3A_422 : memref<128x128xf32, #tpu.memory_space<vmem>>) target(%dma_start3A_419 : memref<128x128xf32, #tpu.memory_space<hbm>>) target_semaphore(%arg16 : memref<!tpu.dma_semaphore, #tpu.memory_space<semaphore_mem>>)
      %mul3A_423 = arith.constant 6 : i32
      %mul3A_424 = arith.muli %add3A_363, %mul3A_423 : i32
      %add3A_425 = arith.constant 1 : i32
      %add3A_426 = arith.addi %mul3A_424, %add3A_425 : i32
      %sub3A_427 = arith.constant 6 : i32
      %sub3A_428 = arith.subi %add3A_426, %sub3A_427 : i32
      %mul3A_429 = arith.constant 128 : i32
      %mul3A_430 = arith.muli %sub3A_428, %mul3A_429 : i32
      %add3A_431 = arith.addi %mul3A_2, %mul3A_430 : i32
      %dma_wait3A_432 = arith.constant 128 : i32
      %dma_wait3A_433 = arith.constant 0 : i32
      %dma_wait3A_434 = tpu.memref_slice %arg6[%dma_wait3A_432, %dma_wait3A_433] : memref<768x128xf32, #tpu.memory_space<vmem>> -> memref<128x128xf32, #tpu.memory_space<vmem>>
      %dma_wait3A_435 = arith.constant 0 : i32
      %dma_wait3A_436 = tpu.memref_slice %arg4[%add3A_431, %dma_wait3A_435] : memref<819200x128xf32, #tpu.memory_space<hbm>> -> memref<128x128xf32, #tpu.memory_space<hbm>>
      %dma_wait3A_437 = arith.constant 0 : i32
      %dma_wait3A_438 = tpu.memref_slice %arg4[%add3A_431, %dma_wait3A_437] : memref<819200x128xf32, #tpu.memory_space<hbm>> -> memref<128x128xf32, #tpu.memory_space<hbm>>
      %dma_wait3A_439 = arith.constant 128 : i32
      %dma_wait3A_440 = arith.constant 0 : i32
      %dma_wait3A_441 = tpu.memref_slice %arg6[%dma_wait3A_439, %dma_wait3A_440] : memref<768x128xf32, #tpu.memory_space<vmem>> -> memref<128x128xf32, #tpu.memory_space<vmem>>
      tpu.wait_dma2 semaphore(%arg14 : memref<!tpu.dma_semaphore, #tpu.memory_space<semaphore_mem>>) src(%dma_wait3A_441 : memref<128x128xf32, #tpu.memory_space<vmem>>) dst(%dma_wait3A_438 : memref<128x128xf32, #tpu.memory_space<hbm>>)
      %mul3A_442 = arith.constant 1 : i32
      %mul3A_443 = arith.muli %add3A_426, %mul3A_442 : i32
      %add3A_444 = arith.constant 0 : i32
      %add3A_445 = arith.addi %mul3A_443, %add3A_444 : i32
      %dma_start3A_446 = arith.constant 128 : i32
      %dma_start3A_447 = arith.constant 0 : i32
      %dma_start3A_448 = tpu.memref_slice %arg6[%dma_start3A_446, %dma_start3A_447] : memref<768x128xf32, #tpu.memory_space<vmem>> -> memref<128x128xf32, #tpu.memory_space<vmem>>
      %dma_start3A_449 = arith.constant 0 : i32
      %dma_start3A_450 = tpu.memref_slice %arg5[%add3A_445, %dma_start3A_449] : memref<200x128xi32, #tpu.memory_space<vmem>> -> memref<1x128xi32, #tpu.memory_space<vmem>>
      %dma_start3A_451 = tpu.memref_squeeze %dma_start3A_450 : memref<1x128xi32, #tpu.memory_space<vmem>> -> memref<128xi32, #tpu.memory_space<vmem>>
      %dma_start3A_452 = arith.constant 0 : i32
      %dma_start3A_453 = arith.constant 0 : i32
      %dma_start3A_454 = tpu.memref_slice %arg3[%dma_start3A_452, %dma_start3A_453] : memref<100000x128xf32, #tpu.memory_space<hbm>> -> memref<100000x128xf32, #tpu.memory_space<hbm>>
      tpu.enqueue_indirect_dma source(%dma_start3A_454 : memref<100000x128xf32, #tpu.memory_space<hbm>>) target(%dma_start3A_448 : memref<128x128xf32, #tpu.memory_space<vmem>>) offsets(%dma_start3A_451 : memref<128xi32, #tpu.memory_space<vmem>>) semaphore(%arg8 : memref<!tpu.dma_semaphore, #tpu.memory_space<semaphore_mem>>)
      %sub3A_455 = arith.constant 3 : i32
      %sub3A_456 = arith.subi %add3A_426, %sub3A_455 : i32
      %mul3A_457 = arith.constant 1 : i32
      %mul3A_458 = arith.muli %sub3A_456, %mul3A_457 : i32
      %add3A_459 = arith.constant 0 : i32
      %add3A_460 = arith.addi %mul3A_458, %add3A_459 : i32
      %dma_wait3A_461 = arith.constant 512 : i32
      %dma_wait3A_462 = arith.constant 0 : i32
      %dma_wait3A_463 = tpu.memref_slice %arg6[%dma_wait3A_461, %dma_wait3A_462] : memref<768x128xf32, #tpu.memory_space<vmem>> -> memref<128x128xf32, #tpu.memory_space<vmem>>
      %dma_wait3A_464 = arith.constant 0 : i32
      %dma_wait3A_465 = tpu.memref_slice %arg5[%add3A_460, %dma_wait3A_464] : memref<200x128xi32, #tpu.memory_space<vmem>> -> memref<1x128xi32, #tpu.memory_space<vmem>>
      %dma_wait3A_466 = tpu.memref_squeeze %dma_wait3A_465 : memref<1x128xi32, #tpu.memory_space<vmem>> -> memref<128xi32, #tpu.memory_space<vmem>>
      %dma_wait3A_467 = arith.constant 0 : i32
      %dma_wait3A_468 = arith.constant 0 : i32
      %dma_wait3A_469 = tpu.memref_slice %arg3[%dma_wait3A_467, %dma_wait3A_468] : memref<100000x128xf32, #tpu.memory_space<hbm>> -> memref<100000x128xf32, #tpu.memory_space<hbm>>
      tpu.wait_indirect_dma semaphore(%arg11 : memref<!tpu.dma_semaphore, #tpu.memory_space<semaphore_mem>>) src(%dma_wait3A_469 : memref<100000x128xf32, #tpu.memory_space<hbm>>) dst(%dma_wait3A_463 : memref<128x128xf32, #tpu.memory_space<vmem>>)
      %mul3A_470 = arith.constant 128 : i32
      %mul3A_471 = arith.muli %sub3A_456, %mul3A_470 : i32
      %add3A_472 = arith.addi %mul3A_2, %mul3A_471 : i32
      %dma_start3A_473 = arith.constant 512 : i32
      %dma_start3A_474 = arith.constant 0 : i32
      %dma_start3A_475 = tpu.memref_slice %arg6[%dma_start3A_473, %dma_start3A_474] : memref<768x128xf32, #tpu.memory_space<vmem>> -> memref<128x128xf32, #tpu.memory_space<vmem>>
      %dma_start3A_476 = arith.constant 0 : i32
      %dma_start3A_477 = tpu.memref_slice %arg4[%add3A_472, %dma_start3A_476] : memref<819200x128xf32, #tpu.memory_space<hbm>> -> memref<128x128xf32, #tpu.memory_space<hbm>>
      %dma_start3A_478 = arith.constant 0 : i32
      %dma_start3A_479 = tpu.memref_slice %arg4[%add3A_472, %dma_start3A_478] : memref<819200x128xf32, #tpu.memory_space<hbm>> -> memref<128x128xf32, #tpu.memory_space<hbm>>
      %dma_start3A_480 = arith.constant 512 : i32
      %dma_start3A_481 = arith.constant 0 : i32
      %dma_start3A_482 = tpu.memref_slice %arg6[%dma_start3A_480, %dma_start3A_481] : memref<768x128xf32, #tpu.memory_space<vmem>> -> memref<128x128xf32, #tpu.memory_space<vmem>>
      tpu.enqueue_dma source(%dma_start3A_482 : memref<128x128xf32, #tpu.memory_space<vmem>>) target(%dma_start3A_479 : memref<128x128xf32, #tpu.memory_space<hbm>>) target_semaphore(%arg17 : memref<!tpu.dma_semaphore, #tpu.memory_space<semaphore_mem>>)
      %mul3A_483 = arith.constant 6 : i32
      %mul3A_484 = arith.muli %add3A_363, %mul3A_483 : i32
      %add3A_485 = arith.constant 2 : i32
      %add3A_486 = arith.addi %mul3A_484, %add3A_485 : i32
      %sub3A_487 = arith.constant 6 : i32
      %sub3A_488 = arith.subi %add3A_486, %sub3A_487 : i32
      %mul3A_489 = arith.constant 128 : i32
      %mul3A_490 = arith.muli %sub3A_488, %mul3A_489 : i32
      %add3A_491 = arith.addi %mul3A_2, %mul3A_490 : i32
      %dma_wait3A_492 = arith.constant 256 : i32
      %dma_wait3A_493 = arith.constant 0 : i32
      %dma_wait3A_494 = tpu.memref_slice %arg6[%dma_wait3A_492, %dma_wait3A_493] : memref<768x128xf32, #tpu.memory_space<vmem>> -> memref<128x128xf32, #tpu.memory_space<vmem>>
      %dma_wait3A_495 = arith.constant 0 : i32
      %dma_wait3A_496 = tpu.memref_slice %arg4[%add3A_491, %dma_wait3A_495] : memref<819200x128xf32, #tpu.memory_space<hbm>> -> memref<128x128xf32, #tpu.memory_space<hbm>>
      %dma_wait3A_497 = arith.constant 0 : i32
      %dma_wait3A_498 = tpu.memref_slice %arg4[%add3A_491, %dma_wait3A_497] : memref<819200x128xf32, #tpu.memory_space<hbm>> -> memref<128x128xf32, #tpu.memory_space<hbm>>
      %dma_wait3A_499 = arith.constant 256 : i32
      %dma_wait3A_500 = arith.constant 0 : i32
      %dma_wait3A_501 = tpu.memref_slice %arg6[%dma_wait3A_499, %dma_wait3A_500] : memref<768x128xf32, #tpu.memory_space<vmem>> -> memref<128x128xf32, #tpu.memory_space<vmem>>
      tpu.wait_dma2 semaphore(%arg15 : memref<!tpu.dma_semaphore, #tpu.memory_space<semaphore_mem>>) src(%dma_wait3A_501 : memref<128x128xf32, #tpu.memory_space<vmem>>) dst(%dma_wait3A_498 : memref<128x128xf32, #tpu.memory_space<hbm>>)
      %mul3A_502 = arith.constant 1 : i32
      %mul3A_503 = arith.muli %add3A_486, %mul3A_502 : i32
      %add3A_504 = arith.constant 0 : i32
      %add3A_505 = arith.addi %mul3A_503, %add3A_504 : i32
      %dma_start3A_506 = arith.constant 256 : i32
      %dma_start3A_507 = arith.constant 0 : i32
      %dma_start3A_508 = tpu.memref_slice %arg6[%dma_start3A_506, %dma_start3A_507] : memref<768x128xf32, #tpu.memory_space<vmem>> -> memref<128x128xf32, #tpu.memory_space<vmem>>
      %dma_start3A_509 = arith.constant 0 : i32
      %dma_start3A_510 = tpu.memref_slice %arg5[%add3A_505, %dma_start3A_509] : memref<200x128xi32, #tpu.memory_space<vmem>> -> memref<1x128xi32, #tpu.memory_space<vmem>>
      %dma_start3A_511 = tpu.memref_squeeze %dma_start3A_510 : memref<1x128xi32, #tpu.memory_space<vmem>> -> memref<128xi32, #tpu.memory_space<vmem>>
      %dma_start3A_512 = arith.constant 0 : i32
      %dma_start3A_513 = arith.constant 0 : i32
      %dma_start3A_514 = tpu.memref_slice %arg3[%dma_start3A_512, %dma_start3A_513] : memref<100000x128xf32, #tpu.memory_space<hbm>> -> memref<100000x128xf32, #tpu.memory_space<hbm>>
      tpu.enqueue_indirect_dma source(%dma_start3A_514 : memref<100000x128xf32, #tpu.memory_space<hbm>>) target(%dma_start3A_508 : memref<128x128xf32, #tpu.memory_space<vmem>>) offsets(%dma_start3A_511 : memref<128xi32, #tpu.memory_space<vmem>>) semaphore(%arg9 : memref<!tpu.dma_semaphore, #tpu.memory_space<semaphore_mem>>)
      %sub3A_515 = arith.constant 3 : i32
      %sub3A_516 = arith.subi %add3A_486, %sub3A_515 : i32
      %mul3A_517 = arith.constant 1 : i32
      %mul3A_518 = arith.muli %sub3A_516, %mul3A_517 : i32
      %add3A_519 = arith.constant 0 : i32
      %add3A_520 = arith.addi %mul3A_518, %add3A_519 : i32
      %dma_wait3A_521 = arith.constant 640 : i32
      %dma_wait3A_522 = arith.constant 0 : i32
      %dma_wait3A_523 = tpu.memref_slice %arg6[%dma_wait3A_521, %dma_wait3A_522] : memref<768x128xf32, #tpu.memory_space<vmem>> -> memref<128x128xf32, #tpu.memory_space<vmem>>
      %dma_wait3A_524 = arith.constant 0 : i32
      %dma_wait3A_525 = tpu.memref_slice %arg5[%add3A_520, %dma_wait3A_524] : memref<200x128xi32, #tpu.memory_space<vmem>> -> memref<1x128xi32, #tpu.memory_space<vmem>>
      %dma_wait3A_526 = tpu.memref_squeeze %dma_wait3A_525 : memref<1x128xi32, #tpu.memory_space<vmem>> -> memref<128xi32, #tpu.memory_space<vmem>>
      %dma_wait3A_527 = arith.constant 0 : i32
      %dma_wait3A_528 = arith.constant 0 : i32
      %dma_wait3A_529 = tpu.memref_slice %arg3[%dma_wait3A_527, %dma_wait3A_528] : memref<100000x128xf32, #tpu.memory_space<hbm>> -> memref<100000x128xf32, #tpu.memory_space<hbm>>
      tpu.wait_indirect_dma semaphore(%arg12 : memref<!tpu.dma_semaphore, #tpu.memory_space<semaphore_mem>>) src(%dma_wait3A_529 : memref<100000x128xf32, #tpu.memory_space<hbm>>) dst(%dma_wait3A_523 : memref<128x128xf32, #tpu.memory_space<vmem>>)
      %mul3A_530 = arith.constant 128 : i32
      %mul3A_531 = arith.muli %sub3A_516, %mul3A_530 : i32
      %add3A_532 = arith.addi %mul3A_2, %mul3A_531 : i32
      %dma_start3A_533 = arith.constant 640 : i32
      %dma_start3A_534 = arith.constant 0 : i32
      %dma_start3A_535 = tpu.memref_slice %arg6[%dma_start3A_533, %dma_start3A_534] : memref<768x128xf32, #tpu.memory_space<vmem>> -> memref<128x128xf32, #tpu.memory_space<vmem>>
      %dma_start3A_536 = arith.constant 0 : i32
      %dma_start3A_537 = tpu.memref_slice %arg4[%add3A_532, %dma_start3A_536] : memref<819200x128xf32, #tpu.memory_space<hbm>> -> memref<128x128xf32, #tpu.memory_space<hbm>>
      %dma_start3A_538 = arith.constant 0 : i32
      %dma_start3A_539 = tpu.memref_slice %arg4[%add3A_532, %dma_start3A_538] : memref<819200x128xf32, #tpu.memory_space<hbm>> -> memref<128x128xf32, #tpu.memory_space<hbm>>
      %dma_start3A_540 = arith.constant 640 : i32
      %dma_start3A_541 = arith.constant 0 : i32
      %dma_start3A_542 = tpu.memref_slice %arg6[%dma_start3A_540, %dma_start3A_541] : memref<768x128xf32, #tpu.memory_space<vmem>> -> memref<128x128xf32, #tpu.memory_space<vmem>>
      tpu.enqueue_dma source(%dma_start3A_542 : memref<128x128xf32, #tpu.memory_space<vmem>>) target(%dma_start3A_539 : memref<128x128xf32, #tpu.memory_space<hbm>>) target_semaphore(%arg18 : memref<!tpu.dma_semaphore, #tpu.memory_space<semaphore_mem>>)
      %mul3A_543 = arith.constant 6 : i32
      %mul3A_544 = arith.muli %add3A_363, %mul3A_543 : i32
      %add3A_545 = arith.constant 3 : i32
      %add3A_546 = arith.addi %mul3A_544, %add3A_545 : i32
      %sub3A_547 = arith.constant 6 : i32
      %sub3A_548 = arith.subi %add3A_546, %sub3A_547 : i32
      %mul3A_549 = arith.constant 128 : i32
      %mul3A_550 = arith.muli %sub3A_548, %mul3A_549 : i32
      %add3A_551 = arith.addi %mul3A_2, %mul3A_550 : i32
      %dma_wait3A_552 = arith.constant 384 : i32
      %dma_wait3A_553 = arith.constant 0 : i32
      %dma_wait3A_554 = tpu.memref_slice %arg6[%dma_wait3A_552, %dma_wait3A_553] : memref<768x128xf32, #tpu.memory_space<vmem>> -> memref<128x128xf32, #tpu.memory_space<vmem>>
      %dma_wait3A_555 = arith.constant 0 : i32
      %dma_wait3A_556 = tpu.memref_slice %arg4[%add3A_551, %dma_wait3A_555] : memref<819200x128xf32, #tpu.memory_space<hbm>> -> memref<128x128xf32, #tpu.memory_space<hbm>>
      %dma_wait3A_557 = arith.constant 0 : i32
      %dma_wait3A_558 = tpu.memref_slice %arg4[%add3A_551, %dma_wait3A_557] : memref<819200x128xf32, #tpu.memory_space<hbm>> -> memref<128x128xf32, #tpu.memory_space<hbm>>
      %dma_wait3A_559 = arith.constant 384 : i32
      %dma_wait3A_560 = arith.constant 0 : i32
      %dma_wait3A_561 = tpu.memref_slice %arg6[%dma_wait3A_559, %dma_wait3A_560] : memref<768x128xf32, #tpu.memory_space<vmem>> -> memref<128x128xf32, #tpu.memory_space<vmem>>
      tpu.wait_dma2 semaphore(%arg16 : memref<!tpu.dma_semaphore, #tpu.memory_space<semaphore_mem>>) src(%dma_wait3A_561 : memref<128x128xf32, #tpu.memory_space<vmem>>) dst(%dma_wait3A_558 : memref<128x128xf32, #tpu.memory_space<hbm>>)
      %mul3A_562 = arith.constant 1 : i32
      %mul3A_563 = arith.muli %add3A_546, %mul3A_562 : i32
      %add3A_564 = arith.constant 0 : i32
      %add3A_565 = arith.addi %mul3A_563, %add3A_564 : i32
      %dma_start3A_566 = arith.constant 384 : i32
      %dma_start3A_567 = arith.constant 0 : i32
      %dma_start3A_568 = tpu.memref_slice %arg6[%dma_start3A_566, %dma_start3A_567] : memref<768x128xf32, #tpu.memory_space<vmem>> -> memref<128x128xf32, #tpu.memory_space<vmem>>
      %dma_start3A_569 = arith.constant 0 : i32
      %dma_start3A_570 = tpu.memref_slice %arg5[%add3A_565, %dma_start3A_569] : memref<200x128xi32, #tpu.memory_space<vmem>> -> memref<1x128xi32, #tpu.memory_space<vmem>>
      %dma_start3A_571 = tpu.memref_squeeze %dma_start3A_570 : memref<1x128xi32, #tpu.memory_space<vmem>> -> memref<128xi32, #tpu.memory_space<vmem>>
      %dma_start3A_572 = arith.constant 0 : i32
      %dma_start3A_573 = arith.constant 0 : i32
      %dma_start3A_574 = tpu.memref_slice %arg3[%dma_start3A_572, %dma_start3A_573] : memref<100000x128xf32, #tpu.memory_space<hbm>> -> memref<100000x128xf32, #tpu.memory_space<hbm>>
      tpu.enqueue_indirect_dma source(%dma_start3A_574 : memref<100000x128xf32, #tpu.memory_space<hbm>>) target(%dma_start3A_568 : memref<128x128xf32, #tpu.memory_space<vmem>>) offsets(%dma_start3A_571 : memref<128xi32, #tpu.memory_space<vmem>>) semaphore(%arg10 : memref<!tpu.dma_semaphore, #tpu.memory_space<semaphore_mem>>)
      %sub3A_575 = arith.constant 3 : i32
      %sub3A_576 = arith.subi %add3A_546, %sub3A_575 : i32
      %mul3A_577 = arith.constant 1 : i32
      %mul3A_578 = arith.muli %sub3A_576, %mul3A_577 : i32
      %add3A_579 = arith.constant 0 : i32
      %add3A_580 = arith.addi %mul3A_578, %add3A_579 : i32
      %dma_wait3A_581 = arith.constant 0 : i32
      %dma_wait3A_582 = arith.constant 0 : i32
      %dma_wait3A_583 = tpu.memref_slice %arg6[%dma_wait3A_581, %dma_wait3A_582] : memref<768x128xf32, #tpu.memory_space<vmem>> -> memref<128x128xf32, #tpu.memory_space<vmem>>
      %dma_wait3A_584 = arith.constant 0 : i32
      %dma_wait3A_585 = tpu.memref_slice %arg5[%add3A_580, %dma_wait3A_584] : memref<200x128xi32, #tpu.memory_space<vmem>> -> memref<1x128xi32, #tpu.memory_space<vmem>>
      %dma_wait3A_586 = tpu.memref_squeeze %dma_wait3A_585 : memref<1x128xi32, #tpu.memory_space<vmem>> -> memref<128xi32, #tpu.memory_space<vmem>>
      %dma_wait3A_587 = arith.constant 0 : i32
      %dma_wait3A_588 = arith.constant 0 : i32
      %dma_wait3A_589 = tpu.memref_slice %arg3[%dma_wait3A_587, %dma_wait3A_588] : memref<100000x128xf32, #tpu.memory_space<hbm>> -> memref<100000x128xf32, #tpu.memory_space<hbm>>
      tpu.wait_indirect_dma semaphore(%arg7 : memref<!tpu.dma_semaphore, #tpu.memory_space<semaphore_mem>>) src(%dma_wait3A_589 : memref<100000x128xf32, #tpu.memory_space<hbm>>) dst(%dma_wait3A_583 : memref<128x128xf32, #tpu.memory_space<vmem>>)
      %mul3A_590 = arith.constant 128 : i32
      %mul3A_591 = arith.muli %sub3A_576, %mul3A_590 : i32
      %add3A_592 = arith.addi %mul3A_2, %mul3A_591 : i32
      %dma_start3A_593 = arith.constant 0 : i32
      %dma_start3A_594 = arith.constant 0 : i32
      %dma_start3A_595 = tpu.memref_slice %arg6[%dma_start3A_593, %dma_start3A_594] : memref<768x128xf32, #tpu.memory_space<vmem>> -> memref<128x128xf32, #tpu.memory_space<vmem>>
      %dma_start3A_596 = arith.constant 0 : i32
      %dma_start3A_597 = tpu.memref_slice %arg4[%add3A_592, %dma_start3A_596] : memref<819200x128xf32, #tpu.memory_space<hbm>> -> memref<128x128xf32, #tpu.memory_space<hbm>>
      %dma_start3A_598 = arith.constant 0 : i32
      %dma_start3A_599 = tpu.memref_slice %arg4[%add3A_592, %dma_start3A_598] : memref<819200x128xf32, #tpu.memory_space<hbm>> -> memref<128x128xf32, #tpu.memory_space<hbm>>
      %dma_start3A_600 = arith.constant 0 : i32
      %dma_start3A_601 = arith.constant 0 : i32
      %dma_start3A_602 = tpu.memref_slice %arg6[%dma_start3A_600, %dma_start3A_601] : memref<768x128xf32, #tpu.memory_space<vmem>> -> memref<128x128xf32, #tpu.memory_space<vmem>>
      tpu.enqueue_dma source(%dma_start3A_602 : memref<128x128xf32, #tpu.memory_space<vmem>>) target(%dma_start3A_599 : memref<128x128xf32, #tpu.memory_space<hbm>>) target_semaphore(%arg13 : memref<!tpu.dma_semaphore, #tpu.memory_space<semaphore_mem>>)
      %mul3A_603 = arith.constant 6 : i32
      %mul3A_604 = arith.muli %add3A_363, %mul3A_603 : i32
      %add3A_605 = arith.constant 4 : i32
      %add3A_606 = arith.addi %mul3A_604, %add3A_605 : i32
      %sub3A_607 = arith.constant 6 : i32
      %sub3A_608 = arith.subi %add3A_606, %sub3A_607 : i32
      %mul3A_609 = arith.constant 128 : i32
      %mul3A_610 = arith.muli %sub3A_608, %mul3A_609 : i32
      %add3A_611 = arith.addi %mul3A_2, %mul3A_610 : i32
      %dma_wait3A_612 = arith.constant 512 : i32
      %dma_wait3A_613 = arith.constant 0 : i32
      %dma_wait3A_614 = tpu.memref_slice %arg6[%dma_wait3A_612, %dma_wait3A_613] : memref<768x128xf32, #tpu.memory_space<vmem>> -> memref<128x128xf32, #tpu.memory_space<vmem>>
      %dma_wait3A_615 = arith.constant 0 : i32
      %dma_wait3A_616 = tpu.memref_slice %arg4[%add3A_611, %dma_wait3A_615] : memref<819200x128xf32, #tpu.memory_space<hbm>> -> memref<128x128xf32, #tpu.memory_space<hbm>>
      %dma_wait3A_617 = arith.constant 0 : i32
      %dma_wait3A_618 = tpu.memref_slice %arg4[%add3A_611, %dma_wait3A_617] : memref<819200x128xf32, #tpu.memory_space<hbm>> -> memref<128x128xf32, #tpu.memory_space<hbm>>
      %dma_wait3A_619 = arith.constant 512 : i32
      %dma_wait3A_620 = arith.constant 0 : i32
      %dma_wait3A_621 = tpu.memref_slice %arg6[%dma_wait3A_619, %dma_wait3A_620] : memref<768x128xf32, #tpu.memory_space<vmem>> -> memref<128x128xf32, #tpu.memory_space<vmem>>
      tpu.wait_dma2 semaphore(%arg17 : memref<!tpu.dma_semaphore, #tpu.memory_space<semaphore_mem>>) src(%dma_wait3A_621 : memref<128x128xf32, #tpu.memory_space<vmem>>) dst(%dma_wait3A_618 : memref<128x128xf32, #tpu.memory_space<hbm>>)
      %mul3A_622 = arith.constant 1 : i32
      %mul3A_623 = arith.muli %add3A_606, %mul3A_622 : i32
      %add3A_624 = arith.constant 0 : i32
      %add3A_625 = arith.addi %mul3A_623, %add3A_624 : i32
      %dma_start3A_626 = arith.constant 512 : i32
      %dma_start3A_627 = arith.constant 0 : i32
      %dma_start3A_628 = tpu.memref_slice %arg6[%dma_start3A_626, %dma_start3A_627] : memref<768x128xf32, #tpu.memory_space<vmem>> -> memref<128x128xf32, #tpu.memory_space<vmem>>
      %dma_start3A_629 = arith.constant 0 : i32
      %dma_start3A_630 = tpu.memref_slice %arg5[%add3A_625, %dma_start3A_629] : memref<200x128xi32, #tpu.memory_space<vmem>> -> memref<1x128xi32, #tpu.memory_space<vmem>>
      %dma_start3A_631 = tpu.memref_squeeze %dma_start3A_630 : memref<1x128xi32, #tpu.memory_space<vmem>> -> memref<128xi32, #tpu.memory_space<vmem>>
      %dma_start3A_632 = arith.constant 0 : i32
      %dma_start3A_633 = arith.constant 0 : i32
      %dma_start3A_634 = tpu.memref_slice %arg3[%dma_start3A_632, %dma_start3A_633] : memref<100000x128xf32, #tpu.memory_space<hbm>> -> memref<100000x128xf32, #tpu.memory_space<hbm>>
      tpu.enqueue_indirect_dma source(%dma_start3A_634 : memref<100000x128xf32, #tpu.memory_space<hbm>>) target(%dma_start3A_628 : memref<128x128xf32, #tpu.memory_space<vmem>>) offsets(%dma_start3A_631 : memref<128xi32, #tpu.memory_space<vmem>>) semaphore(%arg11 : memref<!tpu.dma_semaphore, #tpu.memory_space<semaphore_mem>>)
      %sub3A_635 = arith.constant 3 : i32
      %sub3A_636 = arith.subi %add3A_606, %sub3A_635 : i32
      %mul3A_637 = arith.constant 1 : i32
      %mul3A_638 = arith.muli %sub3A_636, %mul3A_637 : i32
      %add3A_639 = arith.constant 0 : i32
      %add3A_640 = arith.addi %mul3A_638, %add3A_639 : i32
      %dma_wait3A_641 = arith.constant 128 : i32
      %dma_wait3A_642 = arith.constant 0 : i32
      %dma_wait3A_643 = tpu.memref_slice %arg6[%dma_wait3A_641, %dma_wait3A_642] : memref<768x128xf32, #tpu.memory_space<vmem>> -> memref<128x128xf32, #tpu.memory_space<vmem>>
      %dma_wait3A_644 = arith.constant 0 : i32
      %dma_wait3A_645 = tpu.memref_slice %arg5[%add3A_640, %dma_wait3A_644] : memref<200x128xi32, #tpu.memory_space<vmem>> -> memref<1x128xi32, #tpu.memory_space<vmem>>
      %dma_wait3A_646 = tpu.memref_squeeze %dma_wait3A_645 : memref<1x128xi32, #tpu.memory_space<vmem>> -> memref<128xi32, #tpu.memory_space<vmem>>
      %dma_wait3A_647 = arith.constant 0 : i32
      %dma_wait3A_648 = arith.constant 0 : i32
      %dma_wait3A_649 = tpu.memref_slice %arg3[%dma_wait3A_647, %dma_wait3A_648] : memref<100000x128xf32, #tpu.memory_space<hbm>> -> memref<100000x128xf32, #tpu.memory_space<hbm>>
      tpu.wait_indirect_dma semaphore(%arg8 : memref<!tpu.dma_semaphore, #tpu.memory_space<semaphore_mem>>) src(%dma_wait3A_649 : memref<100000x128xf32, #tpu.memory_space<hbm>>) dst(%dma_wait3A_643 : memref<128x128xf32, #tpu.memory_space<vmem>>)
      %mul3A_650 = arith.constant 128 : i32
      %mul3A_651 = arith.muli %sub3A_636, %mul3A_650 : i32
      %add3A_652 = arith.addi %mul3A_2, %mul3A_651 : i32
      %dma_start3A_653 = arith.constant 128 : i32
      %dma_start3A_654 = arith.constant 0 : i32
      %dma_start3A_655 = tpu.memref_slice %arg6[%dma_start3A_653, %dma_start3A_654] : memref<768x128xf32, #tpu.memory_space<vmem>> -> memref<128x128xf32, #tpu.memory_space<vmem>>
      %dma_start3A_656 = arith.constant 0 : i32
      %dma_start3A_657 = tpu.memref_slice %arg4[%add3A_652, %dma_start3A_656] : memref<819200x128xf32, #tpu.memory_space<hbm>> -> memref<128x128xf32, #tpu.memory_space<hbm>>
      %dma_start3A_658 = arith.constant 0 : i32
      %dma_start3A_659 = tpu.memref_slice %arg4[%add3A_652, %dma_start3A_658] : memref<819200x128xf32, #tpu.memory_space<hbm>> -> memref<128x128xf32, #tpu.memory_space<hbm>>
      %dma_start3A_660 = arith.constant 128 : i32
      %dma_start3A_661 = arith.constant 0 : i32
      %dma_start3A_662 = tpu.memref_slice %arg6[%dma_start3A_660, %dma_start3A_661] : memref<768x128xf32, #tpu.memory_space<vmem>> -> memref<128x128xf32, #tpu.memory_space<vmem>>
      tpu.enqueue_dma source(%dma_start3A_662 : memref<128x128xf32, #tpu.memory_space<vmem>>) target(%dma_start3A_659 : memref<128x128xf32, #tpu.memory_space<hbm>>) target_semaphore(%arg14 : memref<!tpu.dma_semaphore, #tpu.memory_space<semaphore_mem>>)
      %mul3A_663 = arith.constant 6 : i32
      %mul3A_664 = arith.muli %add3A_363, %mul3A_663 : i32
      %add3A_665 = arith.constant 5 : i32
      %add3A_666 = arith.addi %mul3A_664, %add3A_665 : i32
      %sub3A_667 = arith.constant 6 : i32
      %sub3A_668 = arith.subi %add3A_666, %sub3A_667 : i32
      %mul3A_669 = arith.constant 128 : i32
      %mul3A_670 = arith.muli %sub3A_668, %mul3A_669 : i32
      %add3A_671 = arith.addi %mul3A_2, %mul3A_670 : i32
      %dma_wait3A_672 = arith.constant 640 : i32
      %dma_wait3A_673 = arith.constant 0 : i32
      %dma_wait3A_674 = tpu.memref_slice %arg6[%dma_wait3A_672, %dma_wait3A_673] : memref<768x128xf32, #tpu.memory_space<vmem>> -> memref<128x128xf32, #tpu.memory_space<vmem>>
      %dma_wait3A_675 = arith.constant 0 : i32
      %dma_wait3A_676 = tpu.memref_slice %arg4[%add3A_671, %dma_wait3A_675] : memref<819200x128xf32, #tpu.memory_space<hbm>> -> memref<128x128xf32, #tpu.memory_space<hbm>>
      %dma_wait3A_677 = arith.constant 0 : i32
      %dma_wait3A_678 = tpu.memref_slice %arg4[%add3A_671, %dma_wait3A_677] : memref<819200x128xf32, #tpu.memory_space<hbm>> -> memref<128x128xf32, #tpu.memory_space<hbm>>
      %dma_wait3A_679 = arith.constant 640 : i32
      %dma_wait3A_680 = arith.constant 0 : i32
      %dma_wait3A_681 = tpu.memref_slice %arg6[%dma_wait3A_679, %dma_wait3A_680] : memref<768x128xf32, #tpu.memory_space<vmem>> -> memref<128x128xf32, #tpu.memory_space<vmem>>
      tpu.wait_dma2 semaphore(%arg18 : memref<!tpu.dma_semaphore, #tpu.memory_space<semaphore_mem>>) src(%dma_wait3A_681 : memref<128x128xf32, #tpu.memory_space<vmem>>) dst(%dma_wait3A_678 : memref<128x128xf32, #tpu.memory_space<hbm>>)
      %mul3A_682 = arith.constant 1 : i32
      %mul3A_683 = arith.muli %add3A_666, %mul3A_682 : i32
      %add3A_684 = arith.constant 0 : i32
      %add3A_685 = arith.addi %mul3A_683, %add3A_684 : i32
      %dma_start3A_686 = arith.constant 640 : i32
      %dma_start3A_687 = arith.constant 0 : i32
      %dma_start3A_688 = tpu.memref_slice %arg6[%dma_start3A_686, %dma_start3A_687] : memref<768x128xf32, #tpu.memory_space<vmem>> -> memref<128x128xf32, #tpu.memory_space<vmem>>
      %dma_start3A_689 = arith.constant 0 : i32
      %dma_start3A_690 = tpu.memref_slice %arg5[%add3A_685, %dma_start3A_689] : memref<200x128xi32, #tpu.memory_space<vmem>> -> memref<1x128xi32, #tpu.memory_space<vmem>>
      %dma_start3A_691 = tpu.memref_squeeze %dma_start3A_690 : memref<1x128xi32, #tpu.memory_space<vmem>> -> memref<128xi32, #tpu.memory_space<vmem>>
      %dma_start3A_692 = arith.constant 0 : i32
      %dma_start3A_693 = arith.constant 0 : i32
      %dma_start3A_694 = tpu.memref_slice %arg3[%dma_start3A_692, %dma_start3A_693] : memref<100000x128xf32, #tpu.memory_space<hbm>> -> memref<100000x128xf32, #tpu.memory_space<hbm>>
      tpu.enqueue_indirect_dma source(%dma_start3A_694 : memref<100000x128xf32, #tpu.memory_space<hbm>>) target(%dma_start3A_688 : memref<128x128xf32, #tpu.memory_space<vmem>>) offsets(%dma_start3A_691 : memref<128xi32, #tpu.memory_space<vmem>>) semaphore(%arg12 : memref<!tpu.dma_semaphore, #tpu.memory_space<semaphore_mem>>)
      %sub3A_695 = arith.constant 3 : i32
      %sub3A_696 = arith.subi %add3A_666, %sub3A_695 : i32
      %mul3A_697 = arith.constant 1 : i32
      %mul3A_698 = arith.muli %sub3A_696, %mul3A_697 : i32
      %add3A_699 = arith.constant 0 : i32
      %add3A_700 = arith.addi %mul3A_698, %add3A_699 : i32
      %dma_wait3A_701 = arith.constant 256 : i32
      %dma_wait3A_702 = arith.constant 0 : i32
      %dma_wait3A_703 = tpu.memref_slice %arg6[%dma_wait3A_701, %dma_wait3A_702] : memref<768x128xf32, #tpu.memory_space<vmem>> -> memref<128x128xf32, #tpu.memory_space<vmem>>
      %dma_wait3A_704 = arith.constant 0 : i32
      %dma_wait3A_705 = tpu.memref_slice %arg5[%add3A_700, %dma_wait3A_704] : memref<200x128xi32, #tpu.memory_space<vmem>> -> memref<1x128xi32, #tpu.memory_space<vmem>>
      %dma_wait3A_706 = tpu.memref_squeeze %dma_wait3A_705 : memref<1x128xi32, #tpu.memory_space<vmem>> -> memref<128xi32, #tpu.memory_space<vmem>>
      %dma_wait3A_707 = arith.constant 0 : i32
      %dma_wait3A_708 = arith.constant 0 : i32
      %dma_wait3A_709 = tpu.memref_slice %arg3[%dma_wait3A_707, %dma_wait3A_708] : memref<100000x128xf32, #tpu.memory_space<hbm>> -> memref<100000x128xf32, #tpu.memory_space<hbm>>
      tpu.wait_indirect_dma semaphore(%arg9 : memref<!tpu.dma_semaphore, #tpu.memory_space<semaphore_mem>>) src(%dma_wait3A_709 : memref<100000x128xf32, #tpu.memory_space<hbm>>) dst(%dma_wait3A_703 : memref<128x128xf32, #tpu.memory_space<vmem>>)
      %mul3A_710 = arith.constant 128 : i32
      %mul3A_711 = arith.muli %sub3A_696, %mul3A_710 : i32
      %add3A_712 = arith.addi %mul3A_2, %mul3A_711 : i32
      %dma_start3A_713 = arith.constant 256 : i32
      %dma_start3A_714 = arith.constant 0 : i32
      %dma_start3A_715 = tpu.memref_slice %arg6[%dma_start3A_713, %dma_start3A_714] : memref<768x128xf32, #tpu.memory_space<vmem>> -> memref<128x128xf32, #tpu.memory_space<vmem>>
      %dma_start3A_716 = arith.constant 0 : i32
      %dma_start3A_717 = tpu.memref_slice %arg4[%add3A_712, %dma_start3A_716] : memref<819200x128xf32, #tpu.memory_space<hbm>> -> memref<128x128xf32, #tpu.memory_space<hbm>>
      %dma_start3A_718 = arith.constant 0 : i32
      %dma_start3A_719 = tpu.memref_slice %arg4[%add3A_712, %dma_start3A_718] : memref<819200x128xf32, #tpu.memory_space<hbm>> -> memref<128x128xf32, #tpu.memory_space<hbm>>
      %dma_start3A_720 = arith.constant 256 : i32
      %dma_start3A_721 = arith.constant 0 : i32
      %dma_start3A_722 = tpu.memref_slice %arg6[%dma_start3A_720, %dma_start3A_721] : memref<768x128xf32, #tpu.memory_space<vmem>> -> memref<128x128xf32, #tpu.memory_space<vmem>>
      tpu.enqueue_dma source(%dma_start3A_722 : memref<128x128xf32, #tpu.memory_space<vmem>>) target(%dma_start3A_719 : memref<128x128xf32, #tpu.memory_space<hbm>>) target_semaphore(%arg15 : memref<!tpu.dma_semaphore, #tpu.memory_space<semaphore_mem>>)
    }
    %scan3A_132 = arith.constant 32 : i32
    %add3A_133 = arith.constant 24576 : i32
    %add3A_134 = arith.addi %mul3A_2, %add3A_133 : i32
    %dma_wait3A_135 = arith.constant 0 : i32
    %dma_wait3A_136 = arith.constant 0 : i32
    %dma_wait3A_137 = tpu.memref_slice %arg6[%dma_wait3A_135, %dma_wait3A_136] : memref<768x128xf32, #tpu.memory_space<vmem>> -> memref<128x128xf32, #tpu.memory_space<vmem>>
    %dma_wait3A_138 = arith.constant 0 : i32
    %dma_wait3A_139 = tpu.memref_slice %arg4[%add3A_134, %dma_wait3A_138] : memref<819200x128xf32, #tpu.memory_space<hbm>> -> memref<128x128xf32, #tpu.memory_space<hbm>>
    %dma_wait3A_140 = arith.constant 0 : i32
    %dma_wait3A_141 = tpu.memref_slice %arg4[%add3A_134, %dma_wait3A_140] : memref<819200x128xf32, #tpu.memory_space<hbm>> -> memref<128x128xf32, #tpu.memory_space<hbm>>
    %dma_wait3A_142 = arith.constant 0 : i32
    %dma_wait3A_143 = arith.constant 0 : i32
    %dma_wait3A_144 = tpu.memref_slice %arg6[%dma_wait3A_142, %dma_wait3A_143] : memref<768x128xf32, #tpu.memory_space<vmem>> -> memref<128x128xf32, #tpu.memory_space<vmem>>
    tpu.wait_dma2 semaphore(%arg13 : memref<!tpu.dma_semaphore, #tpu.memory_space<semaphore_mem>>) src(%dma_wait3A_144 : memref<128x128xf32, #tpu.memory_space<vmem>>) dst(%dma_wait3A_141 : memref<128x128xf32, #tpu.memory_space<hbm>>)
    %dma_start3A_145 = arith.constant 198 : i32
    %dma_start3A_146 = arith.constant 0 : i32
    %dma_start3A_147 = arith.constant 0 : i32
    %dma_start3A_148 = tpu.memref_slice %arg6[%dma_start3A_146, %dma_start3A_147] : memref<768x128xf32, #tpu.memory_space<vmem>> -> memref<128x128xf32, #tpu.memory_space<vmem>>
    %dma_start3A_149 = arith.constant 0 : i32
    %dma_start3A_150 = tpu.memref_slice %arg5[%dma_start3A_145, %dma_start3A_149] : memref<200x128xi32, #tpu.memory_space<vmem>> -> memref<1x128xi32, #tpu.memory_space<vmem>>
    %dma_start3A_151 = tpu.memref_squeeze %dma_start3A_150 : memref<1x128xi32, #tpu.memory_space<vmem>> -> memref<128xi32, #tpu.memory_space<vmem>>
    %dma_start3A_152 = arith.constant 0 : i32
    %dma_start3A_153 = arith.constant 0 : i32
    %dma_start3A_154 = tpu.memref_slice %arg3[%dma_start3A_152, %dma_start3A_153] : memref<100000x128xf32, #tpu.memory_space<hbm>> -> memref<100000x128xf32, #tpu.memory_space<hbm>>
    tpu.enqueue_indirect_dma source(%dma_start3A_154 : memref<100000x128xf32, #tpu.memory_space<hbm>>) target(%dma_start3A_148 : memref<128x128xf32, #tpu.memory_space<vmem>>) offsets(%dma_start3A_151 : memref<128xi32, #tpu.memory_space<vmem>>) semaphore(%arg7 : memref<!tpu.dma_semaphore, #tpu.memory_space<semaphore_mem>>)
    %dma_wait3A_155 = arith.constant 195 : i32
    %dma_wait3A_156 = arith.constant 384 : i32
    %dma_wait3A_157 = arith.constant 0 : i32
    %dma_wait3A_158 = tpu.memref_slice %arg6[%dma_wait3A_156, %dma_wait3A_157] : memref<768x128xf32, #tpu.memory_space<vmem>> -> memref<128x128xf32, #tpu.memory_space<vmem>>
    %dma_wait3A_159 = arith.constant 0 : i32
    %dma_wait3A_160 = tpu.memref_slice %arg5[%dma_wait3A_155, %dma_wait3A_159] : memref<200x128xi32, #tpu.memory_space<vmem>> -> memref<1x128xi32, #tpu.memory_space<vmem>>
    %dma_wait3A_161 = tpu.memref_squeeze %dma_wait3A_160 : memref<1x128xi32, #tpu.memory_space<vmem>> -> memref<128xi32, #tpu.memory_space<vmem>>
    %dma_wait3A_162 = arith.constant 0 : i32
    %dma_wait3A_163 = arith.constant 0 : i32
    %dma_wait3A_164 = tpu.memref_slice %arg3[%dma_wait3A_162, %dma_wait3A_163] : memref<100000x128xf32, #tpu.memory_space<hbm>> -> memref<100000x128xf32, #tpu.memory_space<hbm>>
    tpu.wait_indirect_dma semaphore(%arg10 : memref<!tpu.dma_semaphore, #tpu.memory_space<semaphore_mem>>) src(%dma_wait3A_164 : memref<100000x128xf32, #tpu.memory_space<hbm>>) dst(%dma_wait3A_158 : memref<128x128xf32, #tpu.memory_space<vmem>>)
    %add3A_165 = arith.constant 24960 : i32
    %add3A_166 = arith.addi %mul3A_2, %add3A_165 : i32
    %dma_start3A_167 = arith.constant 384 : i32
    %dma_start3A_168 = arith.constant 0 : i32
    %dma_start3A_169 = tpu.memref_slice %arg6[%dma_start3A_167, %dma_start3A_168] : memref<768x128xf32, #tpu.memory_space<vmem>> -> memref<128x128xf32, #tpu.memory_space<vmem>>
    %dma_start3A_170 = arith.constant 0 : i32
    %dma_start3A_171 = tpu.memref_slice %arg4[%add3A_166, %dma_start3A_170] : memref<819200x128xf32, #tpu.memory_space<hbm>> -> memref<128x128xf32, #tpu.memory_space<hbm>>
    %dma_start3A_172 = arith.constant 0 : i32
    %dma_start3A_173 = tpu.memref_slice %arg4[%add3A_166, %dma_start3A_172] : memref<819200x128xf32, #tpu.memory_space<hbm>> -> memref<128x128xf32, #tpu.memory_space<hbm>>
    %dma_start3A_174 = arith.constant 384 : i32
    %dma_start3A_175 = arith.constant 0 : i32
    %dma_start3A_176 = tpu.memref_slice %arg6[%dma_start3A_174, %dma_start3A_175] : memref<768x128xf32, #tpu.memory_space<vmem>> -> memref<128x128xf32, #tpu.memory_space<vmem>>
    tpu.enqueue_dma source(%dma_start3A_176 : memref<128x128xf32, #tpu.memory_space<vmem>>) target(%dma_start3A_173 : memref<128x128xf32, #tpu.memory_space<hbm>>) target_semaphore(%arg16 : memref<!tpu.dma_semaphore, #tpu.memory_space<semaphore_mem>>)
    %add3A_177 = arith.constant 24704 : i32
    %add3A_178 = arith.addi %mul3A_2, %add3A_177 : i32
    %dma_wait3A_179 = arith.constant 128 : i32
    %dma_wait3A_180 = arith.constant 0 : i32
    %dma_wait3A_181 = tpu.memref_slice %arg6[%dma_wait3A_179, %dma_wait3A_180] : memref<768x128xf32, #tpu.memory_space<vmem>> -> memref<128x128xf32, #tpu.memory_space<vmem>>
    %dma_wait3A_182 = arith.constant 0 : i32
    %dma_wait3A_183 = tpu.memref_slice %arg4[%add3A_178, %dma_wait3A_182] : memref<819200x128xf32, #tpu.memory_space<hbm>> -> memref<128x128xf32, #tpu.memory_space<hbm>>
    %dma_wait3A_184 = arith.constant 0 : i32
    %dma_wait3A_185 = tpu.memref_slice %arg4[%add3A_178, %dma_wait3A_184] : memref<819200x128xf32, #tpu.memory_space<hbm>> -> memref<128x128xf32, #tpu.memory_space<hbm>>
    %dma_wait3A_186 = arith.constant 128 : i32
    %dma_wait3A_187 = arith.constant 0 : i32
    %dma_wait3A_188 = tpu.memref_slice %arg6[%dma_wait3A_186, %dma_wait3A_187] : memref<768x128xf32, #tpu.memory_space<vmem>> -> memref<128x128xf32, #tpu.memory_space<vmem>>
    tpu.wait_dma2 semaphore(%arg14 : memref<!tpu.dma_semaphore, #tpu.memory_space<semaphore_mem>>) src(%dma_wait3A_188 : memref<128x128xf32, #tpu.memory_space<vmem>>) dst(%dma_wait3A_185 : memref<128x128xf32, #tpu.memory_space<hbm>>)
    %dma_start3A_189 = arith.constant 199 : i32
    %dma_start3A_190 = arith.constant 128 : i32
    %dma_start3A_191 = arith.constant 0 : i32
    %dma_start3A_192 = tpu.memref_slice %arg6[%dma_start3A_190, %dma_start3A_191] : memref<768x128xf32, #tpu.memory_space<vmem>> -> memref<128x128xf32, #tpu.memory_space<vmem>>
    %dma_start3A_193 = arith.constant 0 : i32
    %dma_start3A_194 = tpu.memref_slice %arg5[%dma_start3A_189, %dma_start3A_193] : memref<200x128xi32, #tpu.memory_space<vmem>> -> memref<1x128xi32, #tpu.memory_space<vmem>>
    %dma_start3A_195 = tpu.memref_squeeze %dma_start3A_194 : memref<1x128xi32, #tpu.memory_space<vmem>> -> memref<128xi32, #tpu.memory_space<vmem>>
    %dma_start3A_196 = arith.constant 0 : i32
    %dma_start3A_197 = arith.constant 0 : i32
    %dma_start3A_198 = tpu.memref_slice %arg3[%dma_start3A_196, %dma_start3A_197] : memref<100000x128xf32, #tpu.memory_space<hbm>> -> memref<100000x128xf32, #tpu.memory_space<hbm>>
    tpu.enqueue_indirect_dma source(%dma_start3A_198 : memref<100000x128xf32, #tpu.memory_space<hbm>>) target(%dma_start3A_192 : memref<128x128xf32, #tpu.memory_space<vmem>>) offsets(%dma_start3A_195 : memref<128xi32, #tpu.memory_space<vmem>>) semaphore(%arg8 : memref<!tpu.dma_semaphore, #tpu.memory_space<semaphore_mem>>)
    %dma_wait3A_199 = arith.constant 196 : i32
    %dma_wait3A_200 = arith.constant 512 : i32
    %dma_wait3A_201 = arith.constant 0 : i32
    %dma_wait3A_202 = tpu.memref_slice %arg6[%dma_wait3A_200, %dma_wait3A_201] : memref<768x128xf32, #tpu.memory_space<vmem>> -> memref<128x128xf32, #tpu.memory_space<vmem>>
    %dma_wait3A_203 = arith.constant 0 : i32
    %dma_wait3A_204 = tpu.memref_slice %arg5[%dma_wait3A_199, %dma_wait3A_203] : memref<200x128xi32, #tpu.memory_space<vmem>> -> memref<1x128xi32, #tpu.memory_space<vmem>>
    %dma_wait3A_205 = tpu.memref_squeeze %dma_wait3A_204 : memref<1x128xi32, #tpu.memory_space<vmem>> -> memref<128xi32, #tpu.memory_space<vmem>>
    %dma_wait3A_206 = arith.constant 0 : i32
    %dma_wait3A_207 = arith.constant 0 : i32
    %dma_wait3A_208 = tpu.memref_slice %arg3[%dma_wait3A_206, %dma_wait3A_207] : memref<100000x128xf32, #tpu.memory_space<hbm>> -> memref<100000x128xf32, #tpu.memory_space<hbm>>
    tpu.wait_indirect_dma semaphore(%arg11 : memref<!tpu.dma_semaphore, #tpu.memory_space<semaphore_mem>>) src(%dma_wait3A_208 : memref<100000x128xf32, #tpu.memory_space<hbm>>) dst(%dma_wait3A_202 : memref<128x128xf32, #tpu.memory_space<vmem>>)
    %add3A_209 = arith.constant 25088 : i32
    %add3A_210 = arith.addi %mul3A_2, %add3A_209 : i32
    %dma_start3A_211 = arith.constant 512 : i32
    %dma_start3A_212 = arith.constant 0 : i32
    %dma_start3A_213 = tpu.memref_slice %arg6[%dma_start3A_211, %dma_start3A_212] : memref<768x128xf32, #tpu.memory_space<vmem>> -> memref<128x128xf32, #tpu.memory_space<vmem>>
    %dma_start3A_214 = arith.constant 0 : i32
    %dma_start3A_215 = tpu.memref_slice %arg4[%add3A_210, %dma_start3A_214] : memref<819200x128xf32, #tpu.memory_space<hbm>> -> memref<128x128xf32, #tpu.memory_space<hbm>>
    %dma_start3A_216 = arith.constant 0 : i32
    %dma_start3A_217 = tpu.memref_slice %arg4[%add3A_210, %dma_start3A_216] : memref<819200x128xf32, #tpu.memory_space<hbm>> -> memref<128x128xf32, #tpu.memory_space<hbm>>
    %dma_start3A_218 = arith.constant 512 : i32
    %dma_start3A_219 = arith.constant 0 : i32
    %dma_start3A_220 = tpu.memref_slice %arg6[%dma_start3A_218, %dma_start3A_219] : memref<768x128xf32, #tpu.memory_space<vmem>> -> memref<128x128xf32, #tpu.memory_space<vmem>>
    tpu.enqueue_dma source(%dma_start3A_220 : memref<128x128xf32, #tpu.memory_space<vmem>>) target(%dma_start3A_217 : memref<128x128xf32, #tpu.memory_space<hbm>>) target_semaphore(%arg17 : memref<!tpu.dma_semaphore, #tpu.memory_space<semaphore_mem>>)
    %dma_wait3A_221 = arith.constant 197 : i32
    %dma_wait3A_222 = arith.constant 640 : i32
    %dma_wait3A_223 = arith.constant 0 : i32
    %dma_wait3A_224 = tpu.memref_slice %arg6[%dma_wait3A_222, %dma_wait3A_223] : memref<768x128xf32, #tpu.memory_space<vmem>> -> memref<128x128xf32, #tpu.memory_space<vmem>>
    %dma_wait3A_225 = arith.constant 0 : i32
    %dma_wait3A_226 = tpu.memref_slice %arg5[%dma_wait3A_221, %dma_wait3A_225] : memref<200x128xi32, #tpu.memory_space<vmem>> -> memref<1x128xi32, #tpu.memory_space<vmem>>
    %dma_wait3A_227 = tpu.memref_squeeze %dma_wait3A_226 : memref<1x128xi32, #tpu.memory_space<vmem>> -> memref<128xi32, #tpu.memory_space<vmem>>
    %dma_wait3A_228 = arith.constant 0 : i32
    %dma_wait3A_229 = arith.constant 0 : i32
    %dma_wait3A_230 = tpu.memref_slice %arg3[%dma_wait3A_228, %dma_wait3A_229] : memref<100000x128xf32, #tpu.memory_space<hbm>> -> memref<100000x128xf32, #tpu.memory_space<hbm>>
    tpu.wait_indirect_dma semaphore(%arg12 : memref<!tpu.dma_semaphore, #tpu.memory_space<semaphore_mem>>) src(%dma_wait3A_230 : memref<100000x128xf32, #tpu.memory_space<hbm>>) dst(%dma_wait3A_224 : memref<128x128xf32, #tpu.memory_space<vmem>>)
    %add3A_231 = arith.constant 25216 : i32
    %add3A_232 = arith.addi %mul3A_2, %add3A_231 : i32
    %dma_start3A_233 = arith.constant 640 : i32
    %dma_start3A_234 = arith.constant 0 : i32
    %dma_start3A_235 = tpu.memref_slice %arg6[%dma_start3A_233, %dma_start3A_234] : memref<768x128xf32, #tpu.memory_space<vmem>> -> memref<128x128xf32, #tpu.memory_space<vmem>>
    %dma_start3A_236 = arith.constant 0 : i32
    %dma_start3A_237 = tpu.memref_slice %arg4[%add3A_232, %dma_start3A_236] : memref<819200x128xf32, #tpu.memory_space<hbm>> -> memref<128x128xf32, #tpu.memory_space<hbm>>
    %dma_start3A_238 = arith.constant 0 : i32
    %dma_start3A_239 = tpu.memref_slice %arg4[%add3A_232, %dma_start3A_238] : memref<819200x128xf32, #tpu.memory_space<hbm>> -> memref<128x128xf32, #tpu.memory_space<hbm>>
    %dma_start3A_240 = arith.constant 640 : i32
    %dma_start3A_241 = arith.constant 0 : i32
    %dma_start3A_242 = tpu.memref_slice %arg6[%dma_start3A_240, %dma_start3A_241] : memref<768x128xf32, #tpu.memory_space<vmem>> -> memref<128x128xf32, #tpu.memory_space<vmem>>
    tpu.enqueue_dma source(%dma_start3A_242 : memref<128x128xf32, #tpu.memory_space<vmem>>) target(%dma_start3A_239 : memref<128x128xf32, #tpu.memory_space<hbm>>) target_semaphore(%arg18 : memref<!tpu.dma_semaphore, #tpu.memory_space<semaphore_mem>>)
    %dma_wait3A_243 = arith.constant 198 : i32
    %dma_wait3A_244 = arith.constant 0 : i32
    %dma_wait3A_245 = arith.constant 0 : i32
    %dma_wait3A_246 = tpu.memref_slice %arg6[%dma_wait3A_244, %dma_wait3A_245] : memref<768x128xf32, #tpu.memory_space<vmem>> -> memref<128x128xf32, #tpu.memory_space<vmem>>
    %dma_wait3A_247 = arith.constant 0 : i32
    %dma_wait3A_248 = tpu.memref_slice %arg5[%dma_wait3A_243, %dma_wait3A_247] : memref<200x128xi32, #tpu.memory_space<vmem>> -> memref<1x128xi32, #tpu.memory_space<vmem>>
    %dma_wait3A_249 = tpu.memref_squeeze %dma_wait3A_248 : memref<1x128xi32, #tpu.memory_space<vmem>> -> memref<128xi32, #tpu.memory_space<vmem>>
    %dma_wait3A_250 = arith.constant 0 : i32
    %dma_wait3A_251 = arith.constant 0 : i32
    %dma_wait3A_252 = tpu.memref_slice %arg3[%dma_wait3A_250, %dma_wait3A_251] : memref<100000x128xf32, #tpu.memory_space<hbm>> -> memref<100000x128xf32, #tpu.memory_space<hbm>>
    tpu.wait_indirect_dma semaphore(%arg7 : memref<!tpu.dma_semaphore, #tpu.memory_space<semaphore_mem>>) src(%dma_wait3A_252 : memref<100000x128xf32, #tpu.memory_space<hbm>>) dst(%dma_wait3A_246 : memref<128x128xf32, #tpu.memory_space<vmem>>)
    %add3A_253 = arith.constant 25344 : i32
    %add3A_254 = arith.addi %mul3A_2, %add3A_253 : i32
    %dma_start3A_255 = arith.constant 0 : i32
    %dma_start3A_256 = arith.constant 0 : i32
    %dma_start3A_257 = tpu.memref_slice %arg6[%dma_start3A_255, %dma_start3A_256] : memref<768x128xf32, #tpu.memory_space<vmem>> -> memref<128x128xf32, #tpu.memory_space<vmem>>
    %dma_start3A_258 = arith.constant 0 : i32
    %dma_start3A_259 = tpu.memref_slice %arg4[%add3A_254, %dma_start3A_258] : memref<819200x128xf32, #tpu.memory_space<hbm>> -> memref<128x128xf32, #tpu.memory_space<hbm>>
    %dma_start3A_260 = arith.constant 0 : i32
    %dma_start3A_261 = tpu.memref_slice %arg4[%add3A_254, %dma_start3A_260] : memref<819200x128xf32, #tpu.memory_space<hbm>> -> memref<128x128xf32, #tpu.memory_space<hbm>>
    %dma_start3A_262 = arith.constant 0 : i32
    %dma_start3A_263 = arith.constant 0 : i32
    %dma_start3A_264 = tpu.memref_slice %arg6[%dma_start3A_262, %dma_start3A_263] : memref<768x128xf32, #tpu.memory_space<vmem>> -> memref<128x128xf32, #tpu.memory_space<vmem>>
    tpu.enqueue_dma source(%dma_start3A_264 : memref<128x128xf32, #tpu.memory_space<vmem>>) target(%dma_start3A_261 : memref<128x128xf32, #tpu.memory_space<hbm>>) target_semaphore(%arg13 : memref<!tpu.dma_semaphore, #tpu.memory_space<semaphore_mem>>)
    %dma_wait3A_265 = arith.constant 199 : i32
    %dma_wait3A_266 = arith.constant 128 : i32
    %dma_wait3A_267 = arith.constant 0 : i32
    %dma_wait3A_268 = tpu.memref_slice %arg6[%dma_wait3A_266, %dma_wait3A_267] : memref<768x128xf32, #tpu.memory_space<vmem>> -> memref<128x128xf32, #tpu.memory_space<vmem>>
    %dma_wait3A_269 = arith.constant 0 : i32
    %dma_wait3A_270 = tpu.memref_slice %arg5[%dma_wait3A_265, %dma_wait3A_269] : memref<200x128xi32, #tpu.memory_space<vmem>> -> memref<1x128xi32, #tpu.memory_space<vmem>>
    %dma_wait3A_271 = tpu.memref_squeeze %dma_wait3A_270 : memref<1x128xi32, #tpu.memory_space<vmem>> -> memref<128xi32, #tpu.memory_space<vmem>>
    %dma_wait3A_272 = arith.constant 0 : i32
    %dma_wait3A_273 = arith.constant 0 : i32
    %dma_wait3A_274 = tpu.memref_slice %arg3[%dma_wait3A_272, %dma_wait3A_273] : memref<100000x128xf32, #tpu.memory_space<hbm>> -> memref<100000x128xf32, #tpu.memory_space<hbm>>
    tpu.wait_indirect_dma semaphore(%arg8 : memref<!tpu.dma_semaphore, #tpu.memory_space<semaphore_mem>>) src(%dma_wait3A_274 : memref<100000x128xf32, #tpu.memory_space<hbm>>) dst(%dma_wait3A_268 : memref<128x128xf32, #tpu.memory_space<vmem>>)
    %add3A_275 = arith.constant 25472 : i32
    %add3A_276 = arith.addi %mul3A_2, %add3A_275 : i32
    %dma_start3A_277 = arith.constant 128 : i32
    %dma_start3A_278 = arith.constant 0 : i32
    %dma_start3A_279 = tpu.memref_slice %arg6[%dma_start3A_277, %dma_start3A_278] : memref<768x128xf32, #tpu.memory_space<vmem>> -> memref<128x128xf32, #tpu.memory_space<vmem>>
    %dma_start3A_280 = arith.constant 0 : i32
    %dma_start3A_281 = tpu.memref_slice %arg4[%add3A_276, %dma_start3A_280] : memref<819200x128xf32, #tpu.memory_space<hbm>> -> memref<128x128xf32, #tpu.memory_space<hbm>>
    %dma_start3A_282 = arith.constant 0 : i32
    %dma_start3A_283 = tpu.memref_slice %arg4[%add3A_276, %dma_start3A_282] : memref<819200x128xf32, #tpu.memory_space<hbm>> -> memref<128x128xf32, #tpu.memory_space<hbm>>
    %dma_start3A_284 = arith.constant 128 : i32
    %dma_start3A_285 = arith.constant 0 : i32
    %dma_start3A_286 = tpu.memref_slice %arg6[%dma_start3A_284, %dma_start3A_285] : memref<768x128xf32, #tpu.memory_space<vmem>> -> memref<128x128xf32, #tpu.memory_space<vmem>>
    tpu.enqueue_dma source(%dma_start3A_286 : memref<128x128xf32, #tpu.memory_space<vmem>>) target(%dma_start3A_283 : memref<128x128xf32, #tpu.memory_space<hbm>>) target_semaphore(%arg14 : memref<!tpu.dma_semaphore, #tpu.memory_space<semaphore_mem>>)
    %add3A_287 = arith.constant 24832 : i32
    %add3A_288 = arith.addi %mul3A_2, %add3A_287 : i32
    %dma_wait3A_289 = arith.constant 256 : i32
    %dma_wait3A_290 = arith.constant 0 : i32
    %dma_wait3A_291 = tpu.memref_slice %arg6[%dma_wait3A_289, %dma_wait3A_290] : memref<768x128xf32, #tpu.memory_space<vmem>> -> memref<128x128xf32, #tpu.memory_space<vmem>>
    %dma_wait3A_292 = arith.constant 0 : i32
    %dma_wait3A_293 = tpu.memref_slice %arg4[%add3A_288, %dma_wait3A_292] : memref<819200x128xf32, #tpu.memory_space<hbm>> -> memref<128x128xf32, #tpu.memory_space<hbm>>
    %dma_wait3A_294 = arith.constant 0 : i32
    %dma_wait3A_295 = tpu.memref_slice %arg4[%add3A_288, %dma_wait3A_294] : memref<819200x128xf32, #tpu.memory_space<hbm>> -> memref<128x128xf32, #tpu.memory_space<hbm>>
    %dma_wait3A_296 = arith.constant 256 : i32
    %dma_wait3A_297 = arith.constant 0 : i32
    %dma_wait3A_298 = tpu.memref_slice %arg6[%dma_wait3A_296, %dma_wait3A_297] : memref<768x128xf32, #tpu.memory_space<vmem>> -> memref<128x128xf32, #tpu.memory_space<vmem>>
    tpu.wait_dma2 semaphore(%arg15 : memref<!tpu.dma_semaphore, #tpu.memory_space<semaphore_mem>>) src(%dma_wait3A_298 : memref<128x128xf32, #tpu.memory_space<vmem>>) dst(%dma_wait3A_295 : memref<128x128xf32, #tpu.memory_space<hbm>>)
    %add3A_299 = arith.constant 24960 : i32
    %add3A_300 = arith.addi %mul3A_2, %add3A_299 : i32
    %dma_wait3A_301 = arith.constant 384 : i32
    %dma_wait3A_302 = arith.constant 0 : i32
    %dma_wait3A_303 = tpu.memref_slice %arg6[%dma_wait3A_301, %dma_wait3A_302] : memref<768x128xf32, #tpu.memory_space<vmem>> -> memref<128x128xf32, #tpu.memory_space<vmem>>
    %dma_wait3A_304 = arith.constant 0 : i32
    %dma_wait3A_305 = tpu.memref_slice %arg4[%add3A_300, %dma_wait3A_304] : memref<819200x128xf32, #tpu.memory_space<hbm>> -> memref<128x128xf32, #tpu.memory_space<hbm>>
    %dma_wait3A_306 = arith.constant 0 : i32
    %dma_wait3A_307 = tpu.memref_slice %arg4[%add3A_300, %dma_wait3A_306] : memref<819200x128xf32, #tpu.memory_space<hbm>> -> memref<128x128xf32, #tpu.memory_space<hbm>>
    %dma_wait3A_308 = arith.constant 384 : i32
    %dma_wait3A_309 = arith.constant 0 : i32
    %dma_wait3A_310 = tpu.memref_slice %arg6[%dma_wait3A_308, %dma_wait3A_309] : memref<768x128xf32, #tpu.memory_space<vmem>> -> memref<128x128xf32, #tpu.memory_space<vmem>>
    tpu.wait_dma2 semaphore(%arg16 : memref<!tpu.dma_semaphore, #tpu.memory_space<semaphore_mem>>) src(%dma_wait3A_310 : memref<128x128xf32, #tpu.memory_space<vmem>>) dst(%dma_wait3A_307 : memref<128x128xf32, #tpu.memory_space<hbm>>)
    %add3A_311 = arith.constant 25088 : i32
    %add3A_312 = arith.addi %mul3A_2, %add3A_311 : i32
    %dma_wait3A_313 = arith.constant 512 : i32
    %dma_wait3A_314 = arith.constant 0 : i32
    %dma_wait3A_315 = tpu.memref_slice %arg6[%dma_wait3A_313, %dma_wait3A_314] : memref<768x128xf32, #tpu.memory_space<vmem>> -> memref<128x128xf32, #tpu.memory_space<vmem>>
    %dma_wait3A_316 = arith.constant 0 : i32
    %dma_wait3A_317 = tpu.memref_slice %arg4[%add3A_312, %dma_wait3A_316] : memref<819200x128xf32, #tpu.memory_space<hbm>> -> memref<128x128xf32, #tpu.memory_space<hbm>>
    %dma_wait3A_318 = arith.constant 0 : i32
    %dma_wait3A_319 = tpu.memref_slice %arg4[%add3A_312, %dma_wait3A_318] : memref<819200x128xf32, #tpu.memory_space<hbm>> -> memref<128x128xf32, #tpu.memory_space<hbm>>
    %dma_wait3A_320 = arith.constant 512 : i32
    %dma_wait3A_321 = arith.constant 0 : i32
    %dma_wait3A_322 = tpu.memref_slice %arg6[%dma_wait3A_320, %dma_wait3A_321] : memref<768x128xf32, #tpu.memory_space<vmem>> -> memref<128x128xf32, #tpu.memory_space<vmem>>
    tpu.wait_dma2 semaphore(%arg17 : memref<!tpu.dma_semaphore, #tpu.memory_space<semaphore_mem>>) src(%dma_wait3A_322 : memref<128x128xf32, #tpu.memory_space<vmem>>) dst(%dma_wait3A_319 : memref<128x128xf32, #tpu.memory_space<hbm>>)
    %add3A_323 = arith.constant 25216 : i32
    %add3A_324 = arith.addi %mul3A_2, %add3A_323 : i32
    %dma_wait3A_325 = arith.constant 640 : i32
    %dma_wait3A_326 = arith.constant 0 : i32
    %dma_wait3A_327 = tpu.memref_slice %arg6[%dma_wait3A_325, %dma_wait3A_326] : memref<768x128xf32, #tpu.memory_space<vmem>> -> memref<128x128xf32, #tpu.memory_space<vmem>>
    %dma_wait3A_328 = arith.constant 0 : i32
    %dma_wait3A_329 = tpu.memref_slice %arg4[%add3A_324, %dma_wait3A_328] : memref<819200x128xf32, #tpu.memory_space<hbm>> -> memref<128x128xf32, #tpu.memory_space<hbm>>
    %dma_wait3A_330 = arith.constant 0 : i32
    %dma_wait3A_331 = tpu.memref_slice %arg4[%add3A_324, %dma_wait3A_330] : memref<819200x128xf32, #tpu.memory_space<hbm>> -> memref<128x128xf32, #tpu.memory_space<hbm>>
    %dma_wait3A_332 = arith.constant 640 : i32
    %dma_wait3A_333 = arith.constant 0 : i32
    %dma_wait3A_334 = tpu.memref_slice %arg6[%dma_wait3A_332, %dma_wait3A_333] : memref<768x128xf32, #tpu.memory_space<vmem>> -> memref<128x128xf32, #tpu.memory_space<vmem>>
    tpu.wait_dma2 semaphore(%arg18 : memref<!tpu.dma_semaphore, #tpu.memory_space<semaphore_mem>>) src(%dma_wait3A_334 : memref<128x128xf32, #tpu.memory_space<vmem>>) dst(%dma_wait3A_331 : memref<128x128xf32, #tpu.memory_space<hbm>>)
    %add3A_335 = arith.constant 25344 : i32
    %add3A_336 = arith.addi %mul3A_2, %add3A_335 : i32
    %dma_wait3A_337 = arith.constant 0 : i32
    %dma_wait3A_338 = arith.constant 0 : i32
    %dma_wait3A_339 = tpu.memref_slice %arg6[%dma_wait3A_337, %dma_wait3A_338] : memref<768x128xf32, #tpu.memory_space<vmem>> -> memref<128x128xf32, #tpu.memory_space<vmem>>
    %dma_wait3A_340 = arith.constant 0 : i32
    %dma_wait3A_341 = tpu.memref_slice %arg4[%add3A_336, %dma_wait3A_340] : memref<819200x128xf32, #tpu.memory_space<hbm>> -> memref<128x128xf32, #tpu.memory_space<hbm>>
    %dma_wait3A_342 = arith.constant 0 : i32
    %dma_wait3A_343 = tpu.memref_slice %arg4[%add3A_336, %dma_wait3A_342] : memref<819200x128xf32, #tpu.memory_space<hbm>> -> memref<128x128xf32, #tpu.memory_space<hbm>>
    %dma_wait3A_344 = arith.constant 0 : i32
    %dma_wait3A_345 = arith.constant 0 : i32
    %dma_wait3A_346 = tpu.memref_slice %arg6[%dma_wait3A_344, %dma_wait3A_345] : memref<768x128xf32, #tpu.memory_space<vmem>> -> memref<128x128xf32, #tpu.memory_space<vmem>>
    tpu.wait_dma2 semaphore(%arg13 : memref<!tpu.dma_semaphore, #tpu.memory_space<semaphore_mem>>) src(%dma_wait3A_346 : memref<128x128xf32, #tpu.memory_space<vmem>>) dst(%dma_wait3A_343 : memref<128x128xf32, #tpu.memory_space<hbm>>)
    %add3A_347 = arith.constant 25472 : i32
    %add3A_348 = arith.addi %mul3A_2, %add3A_347 : i32
    %dma_wait3A_349 = arith.constant 128 : i32
    %dma_wait3A_350 = arith.constant 0 : i32
    %dma_wait3A_351 = tpu.memref_slice %arg6[%dma_wait3A_349, %dma_wait3A_350] : memref<768x128xf32, #tpu.memory_space<vmem>> -> memref<128x128xf32, #tpu.memory_space<vmem>>
    %dma_wait3A_352 = arith.constant 0 : i32
    %dma_wait3A_353 = tpu.memref_slice %arg4[%add3A_348, %dma_wait3A_352] : memref<819200x128xf32, #tpu.memory_space<hbm>> -> memref<128x128xf32, #tpu.memory_space<hbm>>
    %dma_wait3A_354 = arith.constant 0 : i32
    %dma_wait3A_355 = tpu.memref_slice %arg4[%add3A_348, %dma_wait3A_354] : memref<819200x128xf32, #tpu.memory_space<hbm>> -> memref<128x128xf32, #tpu.memory_space<hbm>>
    %dma_wait3A_356 = arith.constant 128 : i32
    %dma_wait3A_357 = arith.constant 0 : i32
    %dma_wait3A_358 = tpu.memref_slice %arg6[%dma_wait3A_356, %dma_wait3A_357] : memref<768x128xf32, #tpu.memory_space<vmem>> -> memref<128x128xf32, #tpu.memory_space<vmem>>
    tpu.wait_dma2 semaphore(%arg14 : memref<!tpu.dma_semaphore, #tpu.memory_space<semaphore_mem>>) src(%dma_wait3A_358 : memref<128x128xf32, #tpu.memory_space<vmem>>) dst(%dma_wait3A_355 : memref<128x128xf32, #tpu.memory_space<hbm>>)
    return
  }
}

</mosaic_0001>

<sc_bundles>
// kernel: kernel.3.cloned.1.call-start
scs
__scs_entry_jumppad:
0x0: {  	(pc) =	sbr.rel $0x88, $3  }
0x1: {  	(tag) =	ssettag $0x0;
	lr =	simm.s32 $0x1  }
0x2: {  	[smem:$0x3F9F] =	sst lr;
	_ =	strace $0xD0000000  }
0x3: {  	_ = 	snop  }
0x4: {  	_ = 	snop  }
0x5: {  	_ = 	snop  }
0x6: {  	_ = 	snop  }
0x7: {  	_ = 	snop  }
__scs_overlays_trampoline_lowered:
0x8: {  	[smem:$0x3FAE] =	sst s0  }
0x9: {  	[smem:$0x3FAF] =	sst s1  }
0xa: {  	[smem:$0x3FB0] =	sst s2  }
0xb: {  	[smem:$0x3FB1] =	sst s3  }
0xc: {  	[smem:$0x3FB2] =	sst s4  }
0xd: {  	[smem:$0x3FB3] =	sst s5  }
0xe: {  	[smem:$0x3FB4] =	sst s6  }
0xf: {  	[smem:$0x3FB5] =	sst s7  }
0x10: {  	[smem:$0x3FB6] =	sst s8  }
0x11: {  	[smem:$0x3FB7] =	sst s9;
	s0 =	simm.s32 @!p0 $0x0  }
0x12: {  	s1 =	sld [smem:$0x3F9D];
	s0 =	simm.s32 @p0 $0x1  }
0x13: {  	[smem:$0x3FB8] =	sst s0;
	s0 =	simm.s32 @!p1 $0x0  }
0x14: {  	s2 =	sld [smem:$0x3F9C];
	s0 =	simm.s32 @p1 $0x1  }
0x15: {  	[smem:$0x3FB9] =	sst s0;
	s0 =	simm.s32 @!p2 $0x0  }
0x16: {  	s3 =	sld [smem:$0x3FDB];
	s0 =	simm.s32 @p2 $0x1  }
0x17: {  	s4 =	simm.s32 $0x1BF5;
	[smem:$0x3FBB] =	sst s0  }
0x18: {  	s0 =	sld [smem:$0x3F9E];
	_ =	swait.ge [sflag:s4], $0x0  }
0x19: {  	s7 =	sld [smem:$0x3F9F]  }
0x1a: {  	s8 =	sadd.s32 $0xFFFFE003, lr  }
0x1b: {  	s9 =	sadd.s32 $0xFFFFFEF7, lr;
	s5 =	simm.s32 $0xFFFFFFFF;
	p2 =	slt.u32 s8, $0xFFFFF086  }
0x1c: {  	p1 =	slt.u32 s9, $0xF7A;
	s5 =	simm.s32 @!p2 $0x0  }
0x1d: {  	s5 =	simm.s32 @p1 $0x1;
	p0 =	seq.s32 s7, s2  }
0x1e: {  	s7 =	smul.u32 @!p0 $0xF7A, s2;
	p2 =	seq.s32 @!p0 s5, $0x0  }
0x1f: {  	s9 =	smul.u32 $0xF7A, s1;
	s8 =	simm.s32 @!p0 $0x1BF5;
	p2 =	por !p2, p0  }
0x20: {  	[sflag:s8] =	ssyncset.s32 @!p0 $0xFFFFF086;
	s6 =	sadd.s32 @!p0 s3, s7;
	s7 =	simm.s32 @!p0 $0x108  }
0x21: {  	s3 =	sadd.s32 s3, s9;
	s6 =	sadd.s32 @!p0 $0x88, s6;
	s7 =	simm.s32 @p2 $0x1082  }
0x22: {  	[simem:s7], [sflag:s8] =	dma.local @!p0 [hbm:s6], $0xF7A  }
0x23: {  	s9 =	sor.u32 $0xD0000000, s2;
	s6 =	simm.s32 $0x108;
	_ =	swait.ge @!p0 [sflag:s8], $0x0  }
0x24: {  	s3 =	sadd.s32 $0x88, s3;
	s6 =	simm.s32 @!p1 $0x1082;
	[sflag:s4] =	ssyncset.s32 $0xFFFFF086  }
0x25: {  	[simem:s6], [sflag:s4] =	dma.local [hbm:s3], $0xF7A  }
0x26: {  	[smem:$0x3F9F] =	sst s1;
	(tag) =	ssettag s2;
	_ =	strace s9  }
0x27: {  	s1 =	sld [smem:$0x3FAF]  }
0x28: {  	s2 =	sld [smem:$0x3FB0]  }
0x29: {  	s4 =	sld [smem:$0x3FB2]  }
0x2a: {  	p0 =	seq.s32 s5, $0x0;
	s5 =	sld [smem:$0x3FB3]  }
0x2b: {  	s6 =	sld [smem:$0x3FB4]  }
0x2c: {  	s7 =	sld [smem:$0x3FB5]  }
0x2d: {  	s3 =	simm.s32 $0x108;
	s8 =	sld [smem:$0x3FB6]  }
0x2e: {  	s3 =	simm.s32 @!p0 $0x1082;
	s9 =	sld [smem:$0x3FB7]  }
0x2f: {  	lr =	sadd.s32 s0, s3;
	s0 =	sld [smem:$0x3FAE]  }
0x30: {  	s3 =	sld [smem:$0x3FB1]  }
0x31: {  	[smem:$0x3FBA] =	sst s10  }
0x32: {  	s10 =	sld [smem:$0x3FB8];
	_ =	sdelay $0x3  }
0x33: {  	p0 =	seq.s32 s10, $0x1;
	s10 =	sld [smem:$0x3FBA];
	_ =	sdelay $0x3  }
0x34: {  	[smem:$0x3FBA] =	sst s10  }
0x35: {  	s10 =	sld [smem:$0x3FB9];
	_ =	sdelay $0x3  }
0x36: {  	p1 =	seq.s32 s10, $0x1;
	s10 =	sld [smem:$0x3FBA];
	_ =	sdelay $0x3  }
0x37: {  	[smem:$0x3FBA] =	sst s10  }
0x38: {  	s10 =	sld [smem:$0x3FBB]  }
0x39: {  	_ = 	snop;
	(pc) =	sbr.ind lr, $3  }
0x3a: {  	_ = 	snop  }
0x3b: {  	_ = 	snop  }
0x3c: {  	p2 =	seq.s32 s10, $0x1;
	s10 =	sld [smem:$0x3FBA]  }
0x3d: {  	_ =	shalt  }
0x3e: {  	_ =	shalt  }
0x3f: {  	_ =	shalt  }
0x40: {  	_ =	shalt  }
0x41: {  	_ =	shalt  }
0x42: {  	_ =	shalt  }
0x43: {  	_ =	shalt  }
0x44: {  	_ =	shalt  }
0x45: {  	_ =	shalt  }
0x46: {  	_ =	shalt  }
0x47: {  	_ =	shalt  }
0x48: {  	_ =	shalt  }
0x49: {  	_ =	shalt  }
0x4a: {  	_ =	shalt  }
0x4b: {  	_ =	shalt  }
0x4c: {  	_ =	shalt  }
0x4d: {  	_ =	shalt  }
0x4e: {  	_ =	shalt  }
0x4f: {  	_ =	shalt  }
0x50: {  	_ =	shalt  }
0x51: {  	_ =	shalt  }
0x52: {  	_ =	shalt  }
0x53: {  	_ =	shalt  }
0x54: {  	_ =	shalt  }
0x55: {  	_ =	shalt  }
0x56: {  	_ =	shalt  }
0x57: {  	_ =	shalt  }
0x58: {  	_ =	shalt  }
0x59: {  	_ =	shalt  }
0x5a: {  	_ =	shalt  }
0x5b: {  	_ =	shalt  }
0x5c: {  	_ =	shalt  }
0x5d: {  	_ =	shalt  }
0x5e: {  	_ =	shalt  }
0x5f: {  	_ =	shalt  }
0x60: {  	_ =	shalt  }
0x61: {  	_ =	shalt  }
0x62: {  	_ =	shalt  }
0x63: {  	_ =	shalt  }
0x64: {  	_ =	shalt  }
0x65: {  	_ =	shalt  }
0x66: {  	_ =	shalt  }
0x67: {  	_ =	shalt  }
0x68: {  	_ =	shalt  }
0x69: {  	_ =	shalt  }
0x6a: {  	_ =	shalt  }
0x6b: {  	_ =	shalt  }
0x6c: {  	_ =	shalt  }
0x6d: {  	_ =	shalt  }
0x6e: {  	_ =	shalt  }
0x6f: {  	_ =	shalt  }
0x70: {  	_ =	shalt  }
0x71: {  	_ =	shalt  }
0x72: {  	_ =	shalt  }
0x73: {  	_ =	shalt  }
0x74: {  	_ =	shalt  }
0x75: {  	_ =	shalt  }
0x76: {  	_ =	shalt  }
0x77: {  	_ =	shalt  }
0x78: {  	_ =	shalt  }
0x79: {  	_ =	shalt  }
0x7a: {  	_ =	shalt  }
0x7b: {  	_ =	shalt  }
0x7c: {  	_ =	shalt  }
0x7d: {  	_ =	shalt  }
0x7e: {  	_ =	shalt  }
0x7f: {  	_ =	shalt  }
0x80: {  	_ =	shalt  }
0x81: {  	_ =	shalt  }
0x82: {  	_ =	shalt  }
0x83: {  	_ =	shalt  }
0x84: {  	_ =	shalt  }
0x85: {  	_ =	shalt  }
0x86: {  	_ =	shalt  }
0x87: {  	_ =	shalt  }
.Lfunc_end0:
.L_simem_size_0:
called_computation_lowered:
.L_overlay_start_0:
0x88: {  	s2 =	sld [smem:$0x3FD9]  }
0x89: {  	s3 =	sld [smem:$0x3FFE];
	_ =	sdelay $0x1  }
0x8a: {  	s1 =	srdreg.scid  }
0x8b: {  	s0 =	sand.u32 $0x1, s1  }
0x8c: {  	s17 =	sshll.u32 s0, $0xA;
	s2 =	sadd.s32 s3, s2  }
0x8d: {  	s2 =	sadd.s32 s2, s17  }
0x8e: {  	[smem:$0x3FC6] =	sst s2  }
0x8f: {  	_ = 	snop  }
0x90: {  	s2 =	sld [smem:$0x3FC8]  }
0x91: {  	s18 =	sld [smem:$0x3FD0];
	(tm) =	ssettm $0x1  }
0x92: {  	s4 =	sld [smem:$0x3FFB];
	_ =	sdelay $0x3  }
0x93: {  	_ =	strace s4  }
0x94: {  	s4 =	sld [smem:$0x3FFC];
	_ =	sdelay $0x3  }
0x95: {  	_ =	strace s4  }
0x96: {  	s4 =	sld [smem:$0x3FFD];
	_ =	sdelay $0x3  }
0x97: {  	_ =	strace s4  }
0x98: {  	_ =	strace $0x8FFFFFFF  }
0x99: {  	s19 =	sld [smem:$0x3FDB];
	_ =	sdelay $0x1  }
0x9a: {  	s5 =	simm.s32 $_scs_section_size  }
0x9b: {  	s6 =	simm.s32 $_size__tile_overlayer_lowered;
	s7 =	simm.s32 $_tile_overlayer_lowered  }
0x9c: {  	s22 =	simm.s32 $0x1BFF;
	s21 =	sshll.u32 s7, $0x1;
	s4 =	sadd.s32 s5, s19  }
0x9d: {  	s8 =	simm.s32 $0x0;
	s20 =	sshll.u32 s6, $0x1;
	s6 =	sadd.s32 s21, s4  }
0x9e: {  	[timem:s8], [sflag:s22] =	dma.local [hbm:s6], s20  }
0x9f: {  	_ =	swait.ge [sflag:s22], s20  }
0xa0: {  	s5 =	ssub.s32 $0x0, s20;
	[sflag:s22] =	ssyncset.done $0x0  }
0xa1: {  	[sflag:s22] =	ssyncadd.s32 s5;
	_ =	sdelay $0x1  }
0xa2: {  	s23 =	simm.s32 $0x1B8B  }
0xa3: {  	_ =	swait.ge [sflag:s23], $0x1  }
0xa4: {  	[sflag:s23] =	ssyncset.done $0x0  }
0xa5: {  	s25 =	simm.s32 $0x1B8E;
	s24 =	sld [smem:$0x3FFE];
	[sflag:s23] =	ssyncadd.s32 $0xFFFFFFFF  }
0xa6: {  	s26 =	simm.s32 $execute0_lowered;
	[smem:$0x3FD2] =	sst s25  }
0xa7: {  	s6 =	sshll.u32 s26, $0x1;
	_ =	strace $0x80000046;
	[dreg:$0x1] =	wrdreg $0xFFFFFFFF  }
0xa8: {  	s28 =	simm.s32 $_size_execute0_lowered;
	s4 =	sadd.s32 s4, s6;
	[dreg:$0x0] =	wrdreg $0x0  }
0xa9: {  	s6 =	sshll.u32 s28, $0x1;
	[dreg:$0x2] =	wrdreg s4  }
0xaa: {  	[dreg:$0x3] =	wrdreg s6  }
0xab: {  	[dreg:$0x4] =	wrdreg $0xC0  }
0xac: {  	_ =	task [dreg:s8], $0x5FFFF  }
0xad: {  	[dreg:$0x1] =	wrdreg $0xFFFFFFFF  }
0xae: {  	[dreg:$0x0] =	wrdreg $0x60  }
0xaf: {  	[dreg:$0x2] =	wrdreg s24  }
0xb0: {  	[dreg:$0x3] =	wrdreg s2  }
0xb1: {  	[dreg:$0x4] =	wrdreg s18  }
0xb2: {  	[dreg:$0x5] =	wrdreg $0x9  }
0xb3: {  	_ =	task.clear_ibuf [dreg:s8], $0x6FFFF;
	_ =	strace $0x90000046  }
0xb4: {  	s29 =	simm.s32 $0x9;
	_ =	strace $0x80000048  }
0xb5: {  	_ =	swait.ge [sflag:s29], $0x1  }
0xb6: {  	[sflag:s29] =	ssyncadd.s32 $0xFFFFFFFF  }
0xb7: {  	_ =	strace $0x90000048  }
0xb8: {  	_ =	sfence  }
0xb9: {  	s30 =	sld [smem:$0x0];
	_ =	sdelay $0x2  }
0xba: {  	s31 =	sshll.u32 s1, $0xD;
	s1 =	sshrl.u32 s1, $0x2  }
0xbb: {  	s3 =	sand.u32 $0x4000, s31;
	s1 =	sadd.s32 s1, s30  }
0xbc: {  	s0 =	sor.u32 s3, s0;
	s1 =	sshll.u32 s1, $0x11  }
0xbd: {  	s0 =	sor.u32 s1, s0  }
0xbe: {  	s0 =	sadd.s32 $0x8F2B, s0  }
0xbf: {  	[sflag:s0] =	ssyncadd.remote.s32 $0x1  }
0xc0: {  	_ =	sfence.sel $0xFFFF  }
0xc1: {  	[dreg:$0x0] =	wrdreg $0xFFFFFFFF;
	(pc) =	sbr.abs _section_cstart, $3  }
0xc2: {  	[dreg:$0x1] =	wrdreg $0xFFFFFFFF  }
0xc3: {  	_ =	task.clear_ibuf [dreg:s8], $0x2FFFF;
	_ =	strace $0x9FFFFFFF  }
0xc4: {  	(tm) =	ssettm $0x7FFFFFFF  }
0xc5: {  	_ =	shalt  }
tec
execute0_lowered:
.L_overlay_start_1:
0x0: {  	(tag) =	ssettag $0x1  }
0x1: {  	s0 =	rddreg [dreg:$0x0]  }
0x2: {  	s2 =	rddreg [dreg:$0x1];
	s1 =	srdreg.scid  }
0x3: {  	s10 =	stileid.u32;
	s4 =	rddreg [dreg:$0x2]  }
0x4: {  	s3 =	simm.s32 $0x0;
	s14 =	simm.s32 $0xD;
	s15 =	simm.s32 $0x80  }
0x5: {  	s16 =	simm.s32 $0x6400;
	s17 =	simm.s32 $0xA400;
	s19 =	simm.s32 $0xE400  }
0x6: {  	s28 =	simm.s32 $0x1A400;
	s29 =	simm.s32 $0x3;
	s30 =	simm.s32 $0x7  }
0x7: {  	s1 =	sand.u32 $0x1, s1;
	s5 =	sshll.u32 s10, $0x1;
	s23 =	smul.u32 $0xC8000, s10  }
0x8: {  	s5 =	sor.u32 s1, s5;
	s7 =	ssub.s32 $0x2, s1;
	s1 =	smul.u32 $0x64000, s1  }
0x9: {  	s31 =	simm.s32 $0x4;
	[smem:$0x7FF] =	sst s3;
	s6 =	smul.u32 $0xC80, s5  }
0xa: {  	s18 =	simm.s32 $0x9;
	_ =	strace $0x80000047;
	s8 =	smul.u32 $0x64000, s5  }
0xb: {  	s20 =	sshrl.u32 s7, $0x1;
	s9 =	smul.u32 $0x320000, s5;
	s0 =	sadd.s32 s6, s0  }
0xc: {  	s6 =	ssub.s32 s7, s20;
	s5 =	sadd.s32 s4, s8;
	s0 =	sadd.s32 $0x400, s0  }
0xd: {  	s22 =	sshrl.u32 s9, $0x3;
	s21 =	sadd.s32 $0x800, s5;
	[dreg:$0x5] =	wrdreg s0  }
0xe: {  	s20 =	simm.s32 $0x6;
	s8 =	sadd.s32 $0x1000, s5;
	[dreg:$0x6] =	wrdreg s21  }
0xf: {  	s13 =	smax.u32 s6, $0x1;
	s6 =	simm.s32 $0x0;
	[dreg:$0x7] =	wrdreg s8  }
0x10: {  	s0 =	sadd.s32 s4, s22;
	s4 =	sadd.s32 s23, s4;
	s21 =	simm.s32 $0x12400  }
0x11: {  	s22 =	simm.s32 $0x1;
	s23 =	simm.s32 $0xA;
	s24 =	sadd.s32 $0x61800, s0  }
0x12: {  	s25 =	sadd.s32 $0x62000, s0;
	s26 =	sadd.s32 $0x62800, s0;
	[dreg:$0x8] =	wrdreg s24  }
0x13: {  	s11 =	sadd.s32 $0x63000, s0;
	s1 =	sadd.s32 s1, s4;
	[dreg:$0x9] =	wrdreg s25  }
0x14: {  	s12 =	sadd.s32 $0x63800, s0;
	s0 =	simm.s32 $0x5;
	[dreg:$0xa] =	wrdreg s26  }
0x15: {  	s4 =	simm.s32 $0xC;
	[dreg:$0x4] =	wrdreg s1;
	s24 =	simm.s32 $0x16400  }
0x16: {  	s25 =	simm.s32 $0x2;
	s1 =	simm.s32 $0x8;
	s26 =	simm.s32 $0xB  }
.LBB2_1:
0x17: {  	s7 =	rddreg [dreg:$0x5]  }
0x18: {  	[tilespmem:s3], [sflag:$0xD] =	stream.linear.gather [hbm4b:s7+s3], $0x6400, $0x38;
	[tilespmem:$0x1E400] =	vst v63  }
0x19: {  	_ =	swait.ge [sflag:s14], $0x6400  }
0x1a: {  	[sflag:s14] =	ssyncset.done $0x0  }
0x1b: {  	[sflag:s14] =	ssyncadd.s32 $0xFFFF9C00  }
0x1c: {  	[tilespmem:s16], [sflag:$0x1] =	stream.indirect.gather [hbm4b:s2+s15], $0x80, s3, s15, $0xb8;
	[tilespmem:$0x1E400] =	vst v63  }
0x1d: {  	_ = 	snop  }
0x1e: {  	[tilespmem:s17], [sflag:$0x2] =	stream.indirect.gather [hbm4b:s2+s15], $0x80, s15, s15, $0xb8;
	[tilespmem:$0x1E400] =	vst v63  }
0x1f: {  	s8 =	simm.s32 $0x100  }
0x20: {  	[tilespmem:s19], [sflag:$0x3] =	stream.indirect.gather [hbm4b:s2+s15], $0x80, s8, s15, $0xb8;
	[tilespmem:$0x1E400] =	vst v63  }
0x21: {  	s9 =	simm.s32 $0x180  }
0x22: {  	[tilespmem:s21], [sflag:$0x4] =	stream.indirect.gather [hbm4b:s2+s15], $0x80, s9, s15, $0xb8;
	[tilespmem:$0x1E400] =	vst v63  }
0x23: {  	_ =	swait.ge [sflag:s22], $0x4000  }
0x24: {  	[sflag:s22] =	ssyncset.done $0x0  }
0x25: {  	[sflag:s22] =	ssyncadd.s32 $0xFFFFC000  }
0x26: {  	[hbm4b:s5+s3] =	stream.linear.scatter [tilespmem:s16], [sflag:$0x7], $0x4000, $0x38;
	[tilespmem:$0x1E400] =	vst v63  }
0x27: {  	s10 =	simm.s32 $0x200  }
0x28: {  	[tilespmem:s24], [sflag:$0x5] =	stream.indirect.gather [hbm4b:s2+s15], $0x80, s10, s15, $0xb8;
	[tilespmem:$0x1E400] =	vst v63  }
0x29: {  	_ =	swait.ge [sflag:s25], $0x4000  }
0x2a: {  	[sflag:s25] =	ssyncset.done $0x0  }
0x2b: {  	s8 =	rddreg [dreg:$0x6];
	[sflag:s25] =	ssyncadd.s32 $0xFFFFC000  }
0x2c: {  	[hbm4b:s8+s3] =	stream.linear.scatter [tilespmem:s17], [sflag:$0x8], $0x4000, $0x38;
	[tilespmem:$0x1E400] =	vst v63  }
0x2d: {  	s9 =	simm.s32 $0x280  }
0x2e: {  	[tilespmem:s28], [sflag:$0x6] =	stream.indirect.gather [hbm4b:s2+s15], $0x80, s9, s15, $0xb8;
	[tilespmem:$0x1E400] =	vst v63  }
0x2f: {  	_ =	swait.ge [sflag:s29], $0x4000  }
0x30: {  	[sflag:s29] =	ssyncset.done $0x0  }
0x31: {  	s10 =	rddreg [dreg:$0x7];
	[sflag:s29] =	ssyncadd.s32 $0xFFFFC000  }
0x32: {  	[hbm4b:s10+s3] =	stream.linear.scatter [tilespmem:s19], [sflag:$0x9], $0x4000, $0x38;
	[tilespmem:$0x1E400] =	vst v63  }
0x33: {  	_ =	swait.ge [sflag:s30], $0x4000  }
0x34: {  	[sflag:s30] =	ssyncset.done $0x0  }
0x35: {  	s8 =	simm.s32 $0x300;
	[sflag:s30] =	ssyncadd.s32 $0xFFFFC000  }
0x36: {  	[tilespmem:s16], [sflag:$0x1] =	stream.indirect.gather [hbm4b:s2+s15], $0x80, s8, s15, $0xb8;
	[tilespmem:$0x1E400] =	vst v63  }
0x37: {  	_ =	swait.ge [sflag:s31], $0x4000  }
0x38: {  	s9 =	rddreg [dreg:$0x4]  }
0x39: {  	[sflag:s31] =	ssyncset.done $0x0;
	s8 =	sadd.s32 $0x0, s9  }
0x3a: {  	[sflag:s31] =	ssyncadd.s32 $0xFFFFC000;
	s7 =	sadd.s32 $0x1800, s8  }
0x3b: {  	[hbm4b:s7+s3] =	stream.linear.scatter [tilespmem:s21], [sflag:$0xA], $0x4000, $0x38;
	[tilespmem:$0x1E400] =	vst v63  }
0x3c: {  	_ =	swait.ge [sflag:s1], $0x4000  }
0x3d: {  	[sflag:s1] =	ssyncset.done $0x0  }
0x3e: {  	s10 =	simm.s32 $0x380;
	[sflag:s1] =	ssyncadd.s32 $0xFFFFC000  }
0x3f: {  	[tilespmem:s17], [sflag:$0x2] =	stream.indirect.gather [hbm4b:s2+s15], $0x80, s10, s15, $0xb8;
	[tilespmem:$0x1E400] =	vst v63  }
0x40: {  	_ =	swait.ge [sflag:s0], $0x4000  }
0x41: {  	[sflag:s0] =	ssyncset.done $0x0  }
0x42: {  	s9 =	sadd.s32 $0x2000, s8;
	[sflag:s0] =	ssyncadd.s32 $0xFFFFC000  }
0x43: {  	[hbm4b:s9+s3] =	stream.linear.scatter [tilespmem:s24], [sflag:$0xB], $0x4000, $0x38;
	[tilespmem:$0x1E400] =	vst v63  }
0x44: {  	_ =	swait.ge [sflag:s18], $0x4000  }
0x45: {  	[sflag:s18] =	ssyncset.done $0x0  }
0x46: {  	s10 =	simm.s32 $0x400;
	[sflag:s18] =	ssyncadd.s32 $0xFFFFC000  }
0x47: {  	[tilespmem:s19], [sflag:$0x3] =	stream.indirect.gather [hbm4b:s2+s15], $0x80, s10, s15, $0xb8;
	[tilespmem:$0x1E400] =	vst v63  }
0x48: {  	_ =	swait.ge [sflag:s20], $0x4000  }
0x49: {  	[sflag:s20] =	ssyncset.done $0x0  }
0x4a: {  	s9 =	sadd.s32 $0x2800, s8;
	[sflag:s20] =	ssyncadd.s32 $0xFFFFC000  }
0x4b: {  	[hbm4b:s9+s3] =	stream.linear.scatter [tilespmem:s28], [sflag:$0xC], $0x4000, $0x38;
	[tilespmem:$0x1E400] =	vst v63  }
0x4c: {  	_ =	swait.ge [sflag:s23], $0x4000  }
0x4d: {  	[sflag:s23] =	ssyncset.done $0x0  }
0x4e: {  	s10 =	simm.s32 $0x480;
	[sflag:s23] =	ssyncadd.s32 $0xFFFFC000  }
0x4f: {  	[tilespmem:s21], [sflag:$0x4] =	stream.indirect.gather [hbm4b:s2+s15], $0x80, s10, s15, $0xb8;
	[tilespmem:$0x1E400] =	vst v63  }
0x50: {  	_ =	swait.ge [sflag:s22], $0x4000  }
0x51: {  	[sflag:s22] =	ssyncset.done $0x0  }
0x52: {  	s9 =	sadd.s32 $0x3000, s8;
	[sflag:s22] =	ssyncadd.s32 $0xFFFFC000  }
0x53: {  	[hbm4b:s9+s3] =	stream.linear.scatter [tilespmem:s16], [sflag:$0x7], $0x4000, $0x38;
	[tilespmem:$0x1E400] =	vst v63  }
0x54: {  	_ =	swait.ge [sflag:s26], $0x4000  }
0x55: {  	[sflag:s26] =	ssyncset.done $0x0  }
0x56: {  	s10 =	simm.s32 $0x500;
	[sflag:s26] =	ssyncadd.s32 $0xFFFFC000  }
0x57: {  	[tilespmem:s24], [sflag:$0x5] =	stream.indirect.gather [hbm4b:s2+s15], $0x80, s10, s15, $0xb8;
	[tilespmem:$0x1E400] =	vst v63  }
0x58: {  	_ =	swait.ge [sflag:s25], $0x4000  }
0x59: {  	[sflag:s25] =	ssyncset.done $0x0  }
0x5a: {  	s9 =	sadd.s32 $0x3800, s8;
	[sflag:s25] =	ssyncadd.s32 $0xFFFFC000  }
0x5b: {  	[hbm4b:s9+s3] =	stream.linear.scatter [tilespmem:s17], [sflag:$0x8], $0x4000, $0x38;
	[tilespmem:$0x1E400] =	vst v63  }
0x5c: {  	_ =	swait.ge [sflag:s4], $0x4000  }
0x5d: {  	[sflag:s4] =	ssyncset.done $0x0  }
0x5e: {  	s10 =	simm.s32 $0x580;
	[sflag:s4] =	ssyncadd.s32 $0xFFFFC000  }
0x5f: {  	[tilespmem:s28], [sflag:$0x6] =	stream.indirect.gather [hbm4b:s2+s15], $0x80, s10, s15, $0xb8;
	[tilespmem:$0x1E400] =	vst v63  }
0x60: {  	_ =	swait.ge [sflag:s29], $0x4000  }
0x61: {  	s7 =	simm.s32 $0x3000;
	[sflag:s29] =	ssyncset.done $0x0  }
0x62: {  	s9 =	sadd.s32 $0x4000, s8;
	s8 =	simm.s32 $0x880;
	[sflag:s29] =	ssyncadd.s32 $0xFFFFC000  }
.LBB2_2:
0x63: {  	[hbm4b:s9+s3] =	stream.linear.scatter [tilespmem:s19], [sflag:$0x9], $0x4000, $0x38;
	[tilespmem:$0x1E400] =	vst v63  }
0x64: {  	_ =	swait.ge [sflag:s30], $0x4000  }
0x65: {  	[sflag:s30] =	ssyncset.done $0x0  }
0x66: {  	s10 =	sadd.s32 $0xFFFFFD80, s8;
	[sflag:s30] =	ssyncadd.s32 $0xFFFFC000  }
0x67: {  	[tilespmem:s16], [sflag:$0x1] =	stream.indirect.gather [hbm4b:s2+s15], $0x80, s10, s15, $0xb8;
	[tilespmem:$0x1E400] =	vst v63  }
0x68: {  	_ =	swait.ge [sflag:s31], $0x4000  }
0x69: {  	s9 =	smov.u32 s7;
	s10 =	rddreg [dreg:$0x4]  }
0x6a: {  	[sflag:s31] =	ssyncset.done $0x0;
	s9 =	sadd.s32 s9, s10  }
0x6b: {  	[sflag:s31] =	ssyncadd.s32 $0xFFFFC000;
	s10 =	sadd.s32 $0x1800, s9  }
0x6c: {  	[hbm4b:s10+s3] =	stream.linear.scatter [tilespmem:s21], [sflag:$0xA], $0x4000, $0x38;
	[tilespmem:$0x1E400] =	vst v63  }
0x6d: {  	_ =	swait.ge [sflag:s1], $0x4000  }
0x6e: {  	[sflag:s1] =	ssyncset.done $0x0  }
0x6f: {  	s10 =	sadd.s32 $0xFFFFFE00, s8;
	[sflag:s1] =	ssyncadd.s32 $0xFFFFC000  }
0x70: {  	[tilespmem:s17], [sflag:$0x2] =	stream.indirect.gather [hbm4b:s2+s15], $0x80, s10, s15, $0xb8;
	[tilespmem:$0x1E400] =	vst v63  }
0x71: {  	_ =	swait.ge [sflag:s0], $0x4000  }
0x72: {  	[sflag:s0] =	ssyncset.done $0x0  }
0x73: {  	s10 =	sadd.s32 $0x2000, s9;
	[sflag:s0] =	ssyncadd.s32 $0xFFFFC000  }
0x74: {  	[hbm4b:s10+s3] =	stream.linear.scatter [tilespmem:s24], [sflag:$0xB], $0x4000, $0x38;
	[tilespmem:$0x1E400] =	vst v63  }
0x75: {  	_ =	swait.ge [sflag:s18], $0x4000  }
0x76: {  	[sflag:s18] =	ssyncset.done $0x0  }
0x77: {  	s10 =	sadd.s32 $0xFFFFFE80, s8;
	[sflag:s18] =	ssyncadd.s32 $0xFFFFC000  }
0x78: {  	[tilespmem:s19], [sflag:$0x3] =	stream.indirect.gather [hbm4b:s2+s15], $0x80, s10, s15, $0xb8;
	[tilespmem:$0x1E400] =	vst v63  }
0x79: {  	_ =	swait.ge [sflag:s20], $0x4000  }
0x7a: {  	[sflag:s20] =	ssyncset.done $0x0  }
0x7b: {  	s10 =	sadd.s32 $0x2800, s9;
	[sflag:s20] =	ssyncadd.s32 $0xFFFFC000  }
0x7c: {  	[hbm4b:s10+s3] =	stream.linear.scatter [tilespmem:s28], [sflag:$0xC], $0x4000, $0x38;
	[tilespmem:$0x1E400] =	vst v63  }
0x7d: {  	_ =	swait.ge [sflag:s23], $0x4000  }
0x7e: {  	[sflag:s23] =	ssyncset.done $0x0  }
0x7f: {  	s10 =	sadd.s32 $0xFFFFFF00, s8;
	[sflag:s23] =	ssyncadd.s32 $0xFFFFC000  }
0x80: {  	[tilespmem:s21], [sflag:$0x4] =	stream.indirect.gather [hbm4b:s2+s15], $0x80, s10, s15, $0xb8;
	[tilespmem:$0x1E400] =	vst v63  }
0x81: {  	_ =	swait.ge [sflag:s22], $0x4000  }
0x82: {  	[sflag:s22] =	ssyncset.done $0x0  }
0x83: {  	s10 =	sadd.s32 $0x3000, s9;
	[sflag:s22] =	ssyncadd.s32 $0xFFFFC000  }
0x84: {  	[hbm4b:s10+s3] =	stream.linear.scatter [tilespmem:s16], [sflag:$0x7], $0x4000, $0x38;
	[tilespmem:$0x1E400] =	vst v63  }
0x85: {  	_ =	swait.ge [sflag:s26], $0x4000  }
0x86: {  	[sflag:s26] =	ssyncset.done $0x0  }
0x87: {  	s10 =	sadd.s32 $0xFFFFFF80, s8;
	[sflag:s26] =	ssyncadd.s32 $0xFFFFC000  }
0x88: {  	[tilespmem:s24], [sflag:$0x5] =	stream.indirect.gather [hbm4b:s2+s15], $0x80, s10, s15, $0xb8;
	[tilespmem:$0x1E400] =	vst v63  }
0x89: {  	_ =	swait.ge [sflag:s25], $0x4000  }
0x8a: {  	[sflag:s25] =	ssyncset.done $0x0  }
0x8b: {  	s10 =	sadd.s32 $0x3800, s9;
	[sflag:s25] =	ssyncadd.s32 $0xFFFFC000  }
0x8c: {  	[hbm4b:s10+s3] =	stream.linear.scatter [tilespmem:s17], [sflag:$0x8], $0x4000, $0x38;
	[tilespmem:$0x1E400] =	vst v63  }
0x8d: {  	_ =	swait.ge [sflag:s4], $0x4000  }
0x8e: {  	p0 =	sne.s32 s7, $0x5D000;
	[sflag:s4] =	ssyncset.done $0x0  }
.Ltmp0:
0x8f: {  	[sflag:s4] =	ssyncadd.s32 $0xFFFFC000;
	(pc) =	sbr.rel @p0 .LBB2_2-.Ltmp0, $4  }
0x90: {  	[tilespmem:s28], [sflag:$0x6] =	stream.indirect.gather [hbm4b:s2+s15], $0x80, s8, s15, $0xb8;
	[tilespmem:$0x1E400] =	vst v63  }
0x91: {  	_ =	swait.ge [sflag:s29], $0x4000  }
0x92: {  	s7 =	sadd.s32 $0x3000, s7;
	[sflag:s29] =	ssyncset.done $0x0  }
0x93: {  	s9 =	sadd.s32 $0x4000, s9;
	s8 =	sadd.s32 $0x300, s8;
	[sflag:s29] =	ssyncadd.s32 $0xFFFFC000  }
0x94: {  	[hbm4b:s9+s3] =	stream.linear.scatter [tilespmem:s19], [sflag:$0x9], $0x4000, $0x38;
	[tilespmem:$0x1E400] =	vst v63  }
0x95: {  	_ =	swait.ge [sflag:s30], $0x4000  }
0x96: {  	[sflag:s30] =	ssyncset.done $0x0  }
0x97: {  	s7 =	simm.s32 $0x6300;
	[sflag:s30] =	ssyncadd.s32 $0xFFFFC000  }
0x98: {  	[tilespmem:s16], [sflag:$0x1] =	stream.indirect.gather [hbm4b:s2+s15], $0x80, s7, s15, $0xb8;
	[tilespmem:$0x1E400] =	vst v63  }
0x99: {  	_ =	swait.ge [sflag:s31], $0x4000  }
0x9a: {  	[sflag:s31] =	ssyncset.done $0x0  }
0x9b: {  	s10 =	rddreg [dreg:$0x8];
	[sflag:s31] =	ssyncadd.s32 $0xFFFFC000  }
0x9c: {  	[hbm4b:s10+s3] =	stream.linear.scatter [tilespmem:s21], [sflag:$0xA], $0x4000, $0x38;
	[tilespmem:$0x1E400] =	vst v63  }
0x9d: {  	_ =	swait.ge [sflag:s1], $0x4000  }
0x9e: {  	[sflag:s1] =	ssyncset.done $0x0  }
0x9f: {  	s8 =	simm.s32 $0x6380;
	[sflag:s1] =	ssyncadd.s32 $0xFFFFC000  }
0xa0: {  	[tilespmem:s17], [sflag:$0x2] =	stream.indirect.gather [hbm4b:s2+s15], $0x80, s8, s15, $0xb8;
	[tilespmem:$0x1E400] =	vst v63  }
0xa1: {  	_ =	swait.ge [sflag:s0], $0x4000  }
0xa2: {  	[sflag:s0] =	ssyncset.done $0x0  }
0xa3: {  	s9 =	rddreg [dreg:$0x9];
	[sflag:s0] =	ssyncadd.s32 $0xFFFFC000  }
0xa4: {  	[hbm4b:s9+s3] =	stream.linear.scatter [tilespmem:s24], [sflag:$0xB], $0x4000, $0x38;
	[tilespmem:$0x1E400] =	vst v63  }
0xa5: {  	_ =	swait.ge [sflag:s20], $0x4000  }
0xa6: {  	[sflag:s20] =	ssyncset.done $0x0  }
0xa7: {  	s10 =	rddreg [dreg:$0xa];
	[sflag:s20] =	ssyncadd.s32 $0xFFFFC000  }
0xa8: {  	[hbm4b:s10+s3] =	stream.linear.scatter [tilespmem:s28], [sflag:$0xC], $0x4000, $0x38;
	[tilespmem:$0x1E400] =	vst v63  }
0xa9: {  	_ =	swait.ge [sflag:s22], $0x4000  }
0xaa: {  	[sflag:s22] =	ssyncset.done $0x0  }
0xab: {  	[sflag:s22] =	ssyncadd.s32 $0xFFFFC000  }
0xac: {  	[hbm4b:s11+s3] =	stream.linear.scatter [tilespmem:s16], [sflag:$0x7], $0x4000, $0x38;
	[tilespmem:$0x1E400] =	vst v63  }
0xad: {  	_ =	swait.ge [sflag:s25], $0x4000  }
0xae: {  	[sflag:s25] =	ssyncset.done $0x0  }
0xaf: {  	[sflag:s25] =	ssyncadd.s32 $0xFFFFC000  }
0xb0: {  	[hbm4b:s12+s3] =	stream.linear.scatter [tilespmem:s17], [sflag:$0x8], $0x4000, $0x38;
	[tilespmem:$0x1E400] =	vst v63  }
0xb1: {  	_ =	swait.ge [sflag:s18], $0x4000  }
0xb2: {  	[sflag:s18] =	ssyncset.done $0x0  }
0xb3: {  	[sflag:s18] =	ssyncadd.s32 $0xFFFFC000  }
0xb4: {  	_ =	swait.ge [sflag:s23], $0x4000  }
0xb5: {  	[sflag:s23] =	ssyncset.done $0x0  }
0xb6: {  	[sflag:s23] =	ssyncadd.s32 $0xFFFFC000  }
0xb7: {  	_ =	swait.ge [sflag:s26], $0x4000  }
0xb8: {  	[sflag:s26] =	ssyncset.done $0x0  }
0xb9: {  	[sflag:s26] =	ssyncadd.s32 $0xFFFFC000  }
0xba: {  	_ =	swait.ge [sflag:s4], $0x4000  }
0xbb: {  	[sflag:s4] =	ssyncset.done $0x0  }
0xbc: {  	s6 =	sadd.s32 $0x1, s6;
	[sflag:s4] =	ssyncadd.s32 $0xFFFFC000  }
0xbd: {  	p0 =	sne.s32 s6, s13;
	_ =	swait.ge [sflag:s30], $0x4000  }
.Ltmp1:
0xbe: {  	[sflag:s30] =	ssyncset.done $0x0;
	(pc) =	sbr.rel @p0 .LBB2_1-.Ltmp1, $4  }
0xbf: {  	[sflag:s30] =	ssyncadd.s32 $0xFFFFC000  }
0xc0: {  	_ =	swait.ge [sflag:s1], $0x4000  }
0xc1: {  	[sflag:s1] =	ssyncset.done $0x0  }
0xc2: {  	[sflag:s1] =	ssyncadd.s32 $0xFFFFC000  }
0xc3: {  	_ =	sfence.sel $0x180000  }
0xc4: {  	[bflag:$0x0] =	sbarrier.arrive $0xFFFF  }
0xc5: {  	_ =	strace $0x90000047  }
0xc6: {  	s0 =	stileid.u32;
	[bflag:$0x2] =	sbarrier.arrive $0xFFFF  }
0xc7: {  	p0 =	sne.s32 s0, $0x0;
	s0 =	rddreg [dreg:$0x3]  }
0xc8: {  	s0 =	sadd.s32 @!p0 $0x100000, s0  }
0xc9: {  	[sflag:s0] =	ssyncadd.tile.s32 @!p0 $0x1;
	_ =	shalt  }
.Lfunc_end2:
_tile_overlayer_lowered:
.L_overlay_start_2:
0xca: {  	(tag) =	ssettag $0x2  }
0xcb: {  	s0 =	rddreg [dreg:$0x0];
	s2 =	stileid.u32  }
0xcc: {  	s1 =	rddreg [dreg:$0x1];
	p0 =	sne.s32 s2, $0x0  }
0xcd: {  	s3 =	rddreg [dreg:$0x2];
	[bflag:$0x3] =	sbarrier.arrive $0xFFFF;
	s2 =	simm.s32 @!p0 $0x1C0D  }
0xce: {  	[timem:s3], [sflag:s2] =	dma.local @!p0 [hbm:s0], s1  }
0xcf: {  	s0 =	simm.s32 @!p0 $0xD  }
0xd0: {  	_ =	swait.ge @!p0 [sflag:s0], s1  }
0xd1: {  	s1 =	ssub.s32 @!p0 $0x0, s1;
	[sflag:s0] =	ssyncset.done @!p0 $0x0  }
0xd2: {  	[sflag:s0] =	ssyncadd.s32 @!p0 s1  }
0xd3: {  	[bflag:$0x3] =	sbarrier.arrive $0xFFFF  }
0xd4: {  	_ =	shalt  }

</sc_bundles>
